<compile_context>
chip_gen: v7x
topology: tpu7x:2x2x1
jax: 0.10.2.dev20260603
libtpu: 0.0.44.dev20260713+nightly
codegen_flags: <defaults>
</compile_context>

<pallas_src>
import functools

import jax
import jax.numpy as jnp
from jax import lax
from jax.experimental import pallas as pl
from jax.experimental.pallas import tpu as pltpu
from jax.experimental.pallas import tpu_sc as plsc

VOCAB = 51200
EMBED_DIM = 1024
BATCH = 4
SEQ = 2048
NUM_CORES = 2
NUM_SUBCORES = 16
NW = NUM_CORES * NUM_SUBCORES
B_PER_W = BATCH * SEQ // NW
W_PER_ROW = SEQ // B_PER_W
CHUNK = 16
N_CHUNKS = B_PER_W // CHUNK
NBUF = 7

_mesh = plsc.VectorSubcoreMesh(core_axis_name="c", subcore_axis_name="s")


@functools.partial(
    pl.kernel,
    out_type=jax.ShapeDtypeStruct((BATCH, SEQ, EMBED_DIM), jnp.float32),
    mesh=_mesh,
    scratch_types=[
        pltpu.VMEM((B_PER_W,), jnp.int32),
    ] + [pltpu.VMEM((CHUNK, EMBED_DIM), jnp.float32)] * NBUF
      + [pltpu.SemaphoreType.DMA] * (2 * NBUF),
)
def _embedding_gather(ids_hbm, table_hbm, out_hbm, idx_v, *rest):
    bufs = list(rest[:NBUF])
    gsems = list(rest[NBUF:2 * NBUF])
    ssems = list(rest[2 * NBUF:3 * NBUF])
    wid = lax.axis_index("s") * NUM_CORES + lax.axis_index("c")
    bi = wid // W_PER_ROW
    seq0 = (wid % W_PER_ROW) * B_PER_W

    pltpu.sync_copy(ids_hbm.at[bi, pl.ds(seq0, B_PER_W)], idx_v)

    def gather_copy(j, b):
        src = table_hbm.at[idx_v.at[pl.ds(j * CHUNK, CHUNK)]]
        return pltpu.make_async_copy(src, bufs[b], gsems[b])

    def store_copy(j, b):
        dst = out_hbm.at[bi, pl.ds(seq0 + j * CHUNK, CHUNK)]
        return pltpu.make_async_copy(bufs[b], dst, ssems[b])

    for j in range(NBUF):
        gather_copy(j, j % NBUF).start()
    for j in range(N_CHUNKS):
        if j >= 1:
            k = j - 1 + NBUF
            if k < N_CHUNKS:
                store_copy(k - NBUF, k % NBUF).wait()
                gather_copy(k, k % NBUF).start()
        gather_copy(j, j % NBUF).wait()
        store_copy(j, j % NBUF).start()
    for j in range(N_CHUNKS - NBUF, N_CHUNKS):
        store_copy(j, j % NBUF).wait()


def kernel(input_ids, wte):
    return _embedding_gather(input_ids.astype(jnp.int32), wte)

# --- scband reference (transcript-rebuilt; emitter-appended) ---
"""Pipeline reference for scband-code-gen-flash-embedding-39101382263210 (READ-ONLY COPY).

The authoritative reference and input builder live on the scoring server;
editing this copy changes nothing except your own understanding.
"""

import jax, jax.numpy as jnp
import numpy as np

VOCAB = 51200
EMBED_DIM = 1024
BATCH = 4
SEQ = 2048


def setup_inputs(seed: int = 0) -> dict:
    key = jax.random.key(seed)
    k_ids, k_wte = jax.random.split(key)
    input_ids = jax.random.randint(k_ids, (BATCH, SEQ), 0, VOCAB, dtype=jnp.int64 if jax.config.jax_enable_x64 else jnp.int32)
    wte = jax.random.normal(k_wte, (VOCAB, EMBED_DIM), dtype=jnp.float32) * 0.02
    return {"input_ids": input_ids, "wte": wte}


def reference(input_ids, wte):
    # forward of CodeGenFlashEmbedding
    input_shape = input_ids.shape
    ids = input_ids.reshape(-1, input_shape[-1])
    # position_ids computed but unused for output in this module
    position_ids = jnp.arange(0, input_shape[-1], dtype=jnp.int32)[None, :]
    hidden_states = jnp.take(wte, ids, axis=0)  # embedding gather [B, S, D]
    # dropout with p=embd_pdrop=0.0 -> identity in eval/deterministic mode
    return hidden_states

if __name__ == "__main__":
    import jax
    _d = setup_inputs()
    print(jax.jit(kernel)(*tuple(_d.values())))

</pallas_src>

<mosaic_0001>
#map = affine_map<(d0, d1) -> (0, 0)>
#map1 = affine_map<(d0, d1) -> (0, 0, 0)>
module attributes {stable_mosaic.version = 14 : i64} {
  func.func @_embedding_gather(%arg0: i32, %arg1: i32, %arg2: memref<4x2048xi32, #tpu.memory_space<hbm>>, %arg3: memref<51200x1024xf32, #tpu.memory_space<hbm>>, %arg4: memref<4x2048x1024xf32, #tpu.memory_space<hbm>>, %arg5: memref<256xi32, #tpu.memory_space<vmem>>, %arg6: memref<16x1024xf32, #tpu.memory_space<vmem>>, %arg7: memref<16x1024xf32, #tpu.memory_space<vmem>>, %arg8: memref<16x1024xf32, #tpu.memory_space<vmem>>, %arg9: memref<16x1024xf32, #tpu.memory_space<vmem>>, %arg10: memref<16x1024xf32, #tpu.memory_space<vmem>>, %arg11: memref<16x1024xf32, #tpu.memory_space<vmem>>, %arg12: memref<16x1024xf32, #tpu.memory_space<vmem>>, %arg13: memref<!tpu.dma_semaphore, #tpu.memory_space<semaphore_mem>>, %arg14: memref<!tpu.dma_semaphore, #tpu.memory_space<semaphore_mem>>, %arg15: memref<!tpu.dma_semaphore, #tpu.memory_space<semaphore_mem>>, %arg16: memref<!tpu.dma_semaphore, #tpu.memory_space<semaphore_mem>>, %arg17: memref<!tpu.dma_semaphore, #tpu.memory_space<semaphore_mem>>, %arg18: memref<!tpu.dma_semaphore, #tpu.memory_space<semaphore_mem>>, %arg19: memref<!tpu.dma_semaphore, #tpu.memory_space<semaphore_mem>>, %arg20: memref<!tpu.dma_semaphore, #tpu.memory_space<semaphore_mem>>, %arg21: memref<!tpu.dma_semaphore, #tpu.memory_space<semaphore_mem>>, %arg22: memref<!tpu.dma_semaphore, #tpu.memory_space<semaphore_mem>>, %arg23: memref<!tpu.dma_semaphore, #tpu.memory_space<semaphore_mem>>, %arg24: memref<!tpu.dma_semaphore, #tpu.memory_space<semaphore_mem>>, %arg25: memref<!tpu.dma_semaphore, #tpu.memory_space<semaphore_mem>>, %arg26: memref<!tpu.dma_semaphore, #tpu.memory_space<semaphore_mem>>) attributes {dimension_semantics = [#tpu.dimension_semantics<core_parallel>, #tpu.dimension_semantics<subcore_parallel>], iteration_bounds = array<i64: 2, 16>, scalar_prefetch = 0 : i64, scratch_operands = 22 : i64, tpu.core_type = #tpu.core_type<sc_vector_subcore>, window_params = [{transform_indices = #map}, {transform_indices = #map}, {transform_indices = #map1}]} {
    %mul3A = arith.constant 2 : i32
    %mul3A_0 = arith.muli %arg1, %mul3A : i32
    %add3A = arith.addi %mul3A_0, %arg0 : i32
    %jit3A = arith.constant 8 : i32
    %div3A = arith.divsi %add3A, %jit3A : i32
    %sign3A = arith.constant 0 : i32
    %sign3A_1 = arith.cmpi sgt, %add3A, %sign3A : i32
    %sign3A_2 = arith.extui %sign3A_1 : i1 to i32
    %sign3A_3 = arith.constant 0 : i32
    %sign3A_4 = arith.cmpi slt, %add3A, %sign3A_3 : i32
    %sign3A_5 = arith.extui %sign3A_4 : i1 to i32
    %sign3A_6 = arith.subi %sign3A_2, %sign3A_5 : i32
    %sign3A_7 = arith.constant 0 : i32
    %sign3A_8 = arith.cmpi sgt, %jit3A, %sign3A_7 : i32
    %sign3A_9 = arith.extui %sign3A_8 : i1 to i32
    %sign3A_10 = arith.constant 0 : i32
    %sign3A_11 = arith.cmpi slt, %jit3A, %sign3A_10 : i32
    %sign3A_12 = arith.extui %sign3A_11 : i1 to i32
    %sign3A_13 = arith.subi %sign3A_9, %sign3A_12 : i32
    %ne3A = arith.cmpi ne, %sign3A_6, %sign3A_13 : i32
    %rem3A = arith.remsi %add3A, %jit3A : i32
    %ne3A_14 = arith.constant 0 : i32
    %ne3A_15 = arith.cmpi ne, %rem3A, %ne3A_14 : i32
    %and3A = arith.andi %ne3A, %ne3A_15 : i1
    %sub3A = arith.constant 1 : i32
    %sub3A_16 = arith.subi %div3A, %sub3A : i32
    %select_n3A = arith.select %and3A, %sub3A_16, %div3A : i32
    %jit3A_17 = arith.constant 8 : i32
    %eq3A = arith.constant 0 : i32
    %eq3A_18 = arith.cmpi eq, %jit3A_17, %eq3A : i32
    %jit3A_19 = arith.constant 1 : i32
    %select_n3A_20 = arith.select %eq3A_18, %jit3A_19, %jit3A_17 : i32
    %rem3A_21 = arith.remsi %add3A, %select_n3A_20 : i32
    %ne3A_22 = arith.constant 0 : i32
    %ne3A_23 = arith.cmpi ne, %rem3A_21, %ne3A_22 : i32
    %lt3A = arith.constant 0 : i32
    %lt3A_24 = arith.cmpi slt, %rem3A_21, %lt3A : i32
    %lt3A_25 = arith.constant 0 : i32
    %lt3A_26 = arith.cmpi slt, %select_n3A_20, %lt3A_25 : i32
    %ne3A_27 = arith.xori %lt3A_24, %lt3A_26 : i1
    %and3A_28 = arith.andi %ne3A_27, %ne3A_23 : i1
    %add3A_29 = arith.addi %rem3A_21, %select_n3A_20 : i32
    %select_n3A_30 = arith.select %and3A_28, %add3A_29, %rem3A_21 : i32
    %mul3A_31 = arith.constant 256 : i32
    %mul3A_32 = arith.muli %select_n3A_30, %mul3A_31 : i32
    "tpu.region"() ({
      %run_scoped3A = tpu.sem_alloc : memref<!tpu.dma_semaphore, #tpu.memory_space<semaphore_mem>>
      %dma_start3A_447 = tpu.memref_slice %arg2[%select_n3A, %mul3A_32] : memref<4x2048xi32, #tpu.memory_space<hbm>> -> memref<1x256xi32, #tpu.memory_space<hbm>>
      %dma_start3A_448 = tpu.memref_squeeze %dma_start3A_447 : memref<1x256xi32, #tpu.memory_space<hbm>> -> memref<256xi32, #tpu.memory_space<hbm>>
      %dma_start3A_449 = tpu.memref_slice %arg2[%select_n3A, %mul3A_32] : memref<4x2048xi32, #tpu.memory_space<hbm>> -> memref<1x256xi32, #tpu.memory_space<hbm>>
      %dma_start3A_450 = tpu.memref_squeeze %dma_start3A_449 : memref<1x256xi32, #tpu.memory_space<hbm>> -> memref<256xi32, #tpu.memory_space<hbm>>
      tpu.enqueue_dma source(%dma_start3A_450 : memref<256xi32, #tpu.memory_space<hbm>>) target(%arg5 : memref<256xi32, #tpu.memory_space<vmem>>) target_semaphore(%run_scoped3A : memref<!tpu.dma_semaphore, #tpu.memory_space<semaphore_mem>>)
      %dma_wait3A_451 = tpu.memref_slice %arg2[%select_n3A, %mul3A_32] : memref<4x2048xi32, #tpu.memory_space<hbm>> -> memref<1x256xi32, #tpu.memory_space<hbm>>
      %dma_wait3A_452 = tpu.memref_squeeze %dma_wait3A_451 : memref<1x256xi32, #tpu.memory_space<hbm>> -> memref<256xi32, #tpu.memory_space<hbm>>
      %dma_wait3A_453 = tpu.memref_slice %arg2[%select_n3A, %mul3A_32] : memref<4x2048xi32, #tpu.memory_space<hbm>> -> memref<1x256xi32, #tpu.memory_space<hbm>>
      %dma_wait3A_454 = tpu.memref_squeeze %dma_wait3A_453 : memref<1x256xi32, #tpu.memory_space<hbm>> -> memref<256xi32, #tpu.memory_space<hbm>>
      tpu.wait_dma2 semaphore(%run_scoped3A : memref<!tpu.dma_semaphore, #tpu.memory_space<semaphore_mem>>) src(%dma_wait3A_454 : memref<256xi32, #tpu.memory_space<hbm>>) dst(%arg5 : memref<256xi32, #tpu.memory_space<vmem>>)
      tpu.yield
    }) : () -> ()
    %dma_start3A = arith.constant 0 : i32
    %dma_start3A_33 = tpu.memref_slice %arg5[%dma_start3A] : memref<256xi32, #tpu.memory_space<vmem>> -> memref<16xi32, #tpu.memory_space<vmem>>
    %dma_start3A_34 = arith.constant 0 : i32
    %dma_start3A_35 = arith.constant 0 : i32
    %dma_start3A_36 = tpu.memref_slice %arg3[%dma_start3A_34, %dma_start3A_35] : memref<51200x1024xf32, #tpu.memory_space<hbm>> -> memref<51200x1024xf32, #tpu.memory_space<hbm>>
    tpu.enqueue_indirect_dma source(%dma_start3A_36 : memref<51200x1024xf32, #tpu.memory_space<hbm>>) target(%arg6 : memref<16x1024xf32, #tpu.memory_space<vmem>>) offsets(%dma_start3A_33 : memref<16xi32, #tpu.memory_space<vmem>>) semaphore(%arg13 : memref<!tpu.dma_semaphore, #tpu.memory_space<semaphore_mem>>)
    %dma_start3A_37 = arith.constant 16 : i32
    %dma_start3A_38 = tpu.memref_slice %arg5[%dma_start3A_37] : memref<256xi32, #tpu.memory_space<vmem>> -> memref<16xi32, #tpu.memory_space<vmem>>
    %dma_start3A_39 = arith.constant 0 : i32
    %dma_start3A_40 = arith.constant 0 : i32
    %dma_start3A_41 = tpu.memref_slice %arg3[%dma_start3A_39, %dma_start3A_40] : memref<51200x1024xf32, #tpu.memory_space<hbm>> -> memref<51200x1024xf32, #tpu.memory_space<hbm>>
    tpu.enqueue_indirect_dma source(%dma_start3A_41 : memref<51200x1024xf32, #tpu.memory_space<hbm>>) target(%arg7 : memref<16x1024xf32, #tpu.memory_space<vmem>>) offsets(%dma_start3A_38 : memref<16xi32, #tpu.memory_space<vmem>>) semaphore(%arg14 : memref<!tpu.dma_semaphore, #tpu.memory_space<semaphore_mem>>)
    %dma_start3A_42 = arith.constant 32 : i32
    %dma_start3A_43 = tpu.memref_slice %arg5[%dma_start3A_42] : memref<256xi32, #tpu.memory_space<vmem>> -> memref<16xi32, #tpu.memory_space<vmem>>
    %dma_start3A_44 = arith.constant 0 : i32
    %dma_start3A_45 = arith.constant 0 : i32
    %dma_start3A_46 = tpu.memref_slice %arg3[%dma_start3A_44, %dma_start3A_45] : memref<51200x1024xf32, #tpu.memory_space<hbm>> -> memref<51200x1024xf32, #tpu.memory_space<hbm>>
    tpu.enqueue_indirect_dma source(%dma_start3A_46 : memref<51200x1024xf32, #tpu.memory_space<hbm>>) target(%arg8 : memref<16x1024xf32, #tpu.memory_space<vmem>>) offsets(%dma_start3A_43 : memref<16xi32, #tpu.memory_space<vmem>>) semaphore(%arg15 : memref<!tpu.dma_semaphore, #tpu.memory_space<semaphore_mem>>)
    %dma_start3A_47 = arith.constant 48 : i32
    %dma_start3A_48 = tpu.memref_slice %arg5[%dma_start3A_47] : memref<256xi32, #tpu.memory_space<vmem>> -> memref<16xi32, #tpu.memory_space<vmem>>
    %dma_start3A_49 = arith.constant 0 : i32
    %dma_start3A_50 = arith.constant 0 : i32
    %dma_start3A_51 = tpu.memref_slice %arg3[%dma_start3A_49, %dma_start3A_50] : memref<51200x1024xf32, #tpu.memory_space<hbm>> -> memref<51200x1024xf32, #tpu.memory_space<hbm>>
    tpu.enqueue_indirect_dma source(%dma_start3A_51 : memref<51200x1024xf32, #tpu.memory_space<hbm>>) target(%arg9 : memref<16x1024xf32, #tpu.memory_space<vmem>>) offsets(%dma_start3A_48 : memref<16xi32, #tpu.memory_space<vmem>>) semaphore(%arg16 : memref<!tpu.dma_semaphore, #tpu.memory_space<semaphore_mem>>)
    %dma_start3A_52 = arith.constant 64 : i32
    %dma_start3A_53 = tpu.memref_slice %arg5[%dma_start3A_52] : memref<256xi32, #tpu.memory_space<vmem>> -> memref<16xi32, #tpu.memory_space<vmem>>
    %dma_start3A_54 = arith.constant 0 : i32
    %dma_start3A_55 = arith.constant 0 : i32
    %dma_start3A_56 = tpu.memref_slice %arg3[%dma_start3A_54, %dma_start3A_55] : memref<51200x1024xf32, #tpu.memory_space<hbm>> -> memref<51200x1024xf32, #tpu.memory_space<hbm>>
    tpu.enqueue_indirect_dma source(%dma_start3A_56 : memref<51200x1024xf32, #tpu.memory_space<hbm>>) target(%arg10 : memref<16x1024xf32, #tpu.memory_space<vmem>>) offsets(%dma_start3A_53 : memref<16xi32, #tpu.memory_space<vmem>>) semaphore(%arg17 : memref<!tpu.dma_semaphore, #tpu.memory_space<semaphore_mem>>)
    %dma_start3A_57 = arith.constant 80 : i32
    %dma_start3A_58 = tpu.memref_slice %arg5[%dma_start3A_57] : memref<256xi32, #tpu.memory_space<vmem>> -> memref<16xi32, #tpu.memory_space<vmem>>
    %dma_start3A_59 = arith.constant 0 : i32
    %dma_start3A_60 = arith.constant 0 : i32
    %dma_start3A_61 = tpu.memref_slice %arg3[%dma_start3A_59, %dma_start3A_60] : memref<51200x1024xf32, #tpu.memory_space<hbm>> -> memref<51200x1024xf32, #tpu.memory_space<hbm>>
    tpu.enqueue_indirect_dma source(%dma_start3A_61 : memref<51200x1024xf32, #tpu.memory_space<hbm>>) target(%arg11 : memref<16x1024xf32, #tpu.memory_space<vmem>>) offsets(%dma_start3A_58 : memref<16xi32, #tpu.memory_space<vmem>>) semaphore(%arg18 : memref<!tpu.dma_semaphore, #tpu.memory_space<semaphore_mem>>)
    %dma_start3A_62 = arith.constant 96 : i32
    %dma_start3A_63 = tpu.memref_slice %arg5[%dma_start3A_62] : memref<256xi32, #tpu.memory_space<vmem>> -> memref<16xi32, #tpu.memory_space<vmem>>
    %dma_start3A_64 = arith.constant 0 : i32
    %dma_start3A_65 = arith.constant 0 : i32
    %dma_start3A_66 = tpu.memref_slice %arg3[%dma_start3A_64, %dma_start3A_65] : memref<51200x1024xf32, #tpu.memory_space<hbm>> -> memref<51200x1024xf32, #tpu.memory_space<hbm>>
    tpu.enqueue_indirect_dma source(%dma_start3A_66 : memref<51200x1024xf32, #tpu.memory_space<hbm>>) target(%arg12 : memref<16x1024xf32, #tpu.memory_space<vmem>>) offsets(%dma_start3A_63 : memref<16xi32, #tpu.memory_space<vmem>>) semaphore(%arg19 : memref<!tpu.dma_semaphore, #tpu.memory_space<semaphore_mem>>)
    %dma_wait3A = arith.constant 0 : i32
    %dma_wait3A_67 = tpu.memref_slice %arg5[%dma_wait3A] : memref<256xi32, #tpu.memory_space<vmem>> -> memref<16xi32, #tpu.memory_space<vmem>>
    %dma_wait3A_68 = arith.constant 0 : i32
    %dma_wait3A_69 = arith.constant 0 : i32
    %dma_wait3A_70 = tpu.memref_slice %arg3[%dma_wait3A_68, %dma_wait3A_69] : memref<51200x1024xf32, #tpu.memory_space<hbm>> -> memref<51200x1024xf32, #tpu.memory_space<hbm>>
    tpu.wait_indirect_dma semaphore(%arg13 : memref<!tpu.dma_semaphore, #tpu.memory_space<semaphore_mem>>) src(%dma_wait3A_70 : memref<51200x1024xf32, #tpu.memory_space<hbm>>) dst(%arg6 : memref<16x1024xf32, #tpu.memory_space<vmem>>)
    %add3A_71 = arith.constant 0 : i32
    %add3A_72 = arith.addi %mul3A_32, %add3A_71 : i32
    %dma_start3A_73 = arith.constant 0 : i32
    %dma_start3A_74 = tpu.memref_slice %arg4[%select_n3A, %add3A_72, %dma_start3A_73] : memref<4x2048x1024xf32, #tpu.memory_space<hbm>> -> memref<1x16x1024xf32, #tpu.memory_space<hbm>>
    %dma_start3A_75 = tpu.memref_squeeze %dma_start3A_74 : memref<1x16x1024xf32, #tpu.memory_space<hbm>> -> memref<16x1024xf32, #tpu.memory_space<hbm>>
    %dma_start3A_76 = arith.constant 0 : i32
    %dma_start3A_77 = tpu.memref_slice %arg4[%select_n3A, %add3A_72, %dma_start3A_76] : memref<4x2048x1024xf32, #tpu.memory_space<hbm>> -> memref<1x16x1024xf32, #tpu.memory_space<hbm>>
    %dma_start3A_78 = tpu.memref_squeeze %dma_start3A_77 : memref<1x16x1024xf32, #tpu.memory_space<hbm>> -> memref<16x1024xf32, #tpu.memory_space<hbm>>
    tpu.enqueue_dma source(%arg6 : memref<16x1024xf32, #tpu.memory_space<vmem>>) target(%dma_start3A_78 : memref<16x1024xf32, #tpu.memory_space<hbm>>) target_semaphore(%arg20 : memref<!tpu.dma_semaphore, #tpu.memory_space<semaphore_mem>>)
    %add3A_79 = arith.constant 0 : i32
    %add3A_80 = arith.addi %mul3A_32, %add3A_79 : i32
    %dma_wait3A_81 = arith.constant 0 : i32
    %dma_wait3A_82 = tpu.memref_slice %arg4[%select_n3A, %add3A_80, %dma_wait3A_81] : memref<4x2048x1024xf32, #tpu.memory_space<hbm>> -> memref<1x16x1024xf32, #tpu.memory_space<hbm>>
    %dma_wait3A_83 = tpu.memref_squeeze %dma_wait3A_82 : memref<1x16x1024xf32, #tpu.memory_space<hbm>> -> memref<16x1024xf32, #tpu.memory_space<hbm>>
    %dma_wait3A_84 = arith.constant 0 : i32
    %dma_wait3A_85 = tpu.memref_slice %arg4[%select_n3A, %add3A_80, %dma_wait3A_84] : memref<4x2048x1024xf32, #tpu.memory_space<hbm>> -> memref<1x16x1024xf32, #tpu.memory_space<hbm>>
    %dma_wait3A_86 = tpu.memref_squeeze %dma_wait3A_85 : memref<1x16x1024xf32, #tpu.memory_space<hbm>> -> memref<16x1024xf32, #tpu.memory_space<hbm>>
    tpu.wait_dma2 semaphore(%arg20 : memref<!tpu.dma_semaphore, #tpu.memory_space<semaphore_mem>>) src(%arg6 : memref<16x1024xf32, #tpu.memory_space<vmem>>) dst(%dma_wait3A_86 : memref<16x1024xf32, #tpu.memory_space<hbm>>)
    %dma_start3A_87 = arith.constant 112 : i32
    %dma_start3A_88 = tpu.memref_slice %arg5[%dma_start3A_87] : memref<256xi32, #tpu.memory_space<vmem>> -> memref<16xi32, #tpu.memory_space<vmem>>
    %dma_start3A_89 = arith.constant 0 : i32
    %dma_start3A_90 = arith.constant 0 : i32
    %dma_start3A_91 = tpu.memref_slice %arg3[%dma_start3A_89, %dma_start3A_90] : memref<51200x1024xf32, #tpu.memory_space<hbm>> -> memref<51200x1024xf32, #tpu.memory_space<hbm>>
    tpu.enqueue_indirect_dma source(%dma_start3A_91 : memref<51200x1024xf32, #tpu.memory_space<hbm>>) target(%arg6 : memref<16x1024xf32, #tpu.memory_space<vmem>>) offsets(%dma_start3A_88 : memref<16xi32, #tpu.memory_space<vmem>>) semaphore(%arg13 : memref<!tpu.dma_semaphore, #tpu.memory_space<semaphore_mem>>)
    %dma_wait3A_92 = arith.constant 16 : i32
    %dma_wait3A_93 = tpu.memref_slice %arg5[%dma_wait3A_92] : memref<256xi32, #tpu.memory_space<vmem>> -> memref<16xi32, #tpu.memory_space<vmem>>
    %dma_wait3A_94 = arith.constant 0 : i32
    %dma_wait3A_95 = arith.constant 0 : i32
    %dma_wait3A_96 = tpu.memref_slice %arg3[%dma_wait3A_94, %dma_wait3A_95] : memref<51200x1024xf32, #tpu.memory_space<hbm>> -> memref<51200x1024xf32, #tpu.memory_space<hbm>>
    tpu.wait_indirect_dma semaphore(%arg14 : memref<!tpu.dma_semaphore, #tpu.memory_space<semaphore_mem>>) src(%dma_wait3A_96 : memref<51200x1024xf32, #tpu.memory_space<hbm>>) dst(%arg7 : memref<16x1024xf32, #tpu.memory_space<vmem>>)
    %add3A_97 = arith.constant 16 : i32
    %add3A_98 = arith.addi %mul3A_32, %add3A_97 : i32
    %dma_start3A_99 = arith.constant 0 : i32
    %dma_start3A_100 = tpu.memref_slice %arg4[%select_n3A, %add3A_98, %dma_start3A_99] : memref<4x2048x1024xf32, #tpu.memory_space<hbm>> -> memref<1x16x1024xf32, #tpu.memory_space<hbm>>
    %dma_start3A_101 = tpu.memref_squeeze %dma_start3A_100 : memref<1x16x1024xf32, #tpu.memory_space<hbm>> -> memref<16x1024xf32, #tpu.memory_space<hbm>>
    %dma_start3A_102 = arith.constant 0 : i32
    %dma_start3A_103 = tpu.memref_slice %arg4[%select_n3A, %add3A_98, %dma_start3A_102] : memref<4x2048x1024xf32, #tpu.memory_space<hbm>> -> memref<1x16x1024xf32, #tpu.memory_space<hbm>>
    %dma_start3A_104 = tpu.memref_squeeze %dma_start3A_103 : memref<1x16x1024xf32, #tpu.memory_space<hbm>> -> memref<16x1024xf32, #tpu.memory_space<hbm>>
    tpu.enqueue_dma source(%arg7 : memref<16x1024xf32, #tpu.memory_space<vmem>>) target(%dma_start3A_104 : memref<16x1024xf32, #tpu.memory_space<hbm>>) target_semaphore(%arg21 : memref<!tpu.dma_semaphore, #tpu.memory_space<semaphore_mem>>)
    %add3A_105 = arith.constant 16 : i32
    %add3A_106 = arith.addi %mul3A_32, %add3A_105 : i32
    %dma_wait3A_107 = arith.constant 0 : i32
    %dma_wait3A_108 = tpu.memref_slice %arg4[%select_n3A, %add3A_106, %dma_wait3A_107] : memref<4x2048x1024xf32, #tpu.memory_space<hbm>> -> memref<1x16x1024xf32, #tpu.memory_space<hbm>>
    %dma_wait3A_109 = tpu.memref_squeeze %dma_wait3A_108 : memref<1x16x1024xf32, #tpu.memory_space<hbm>> -> memref<16x1024xf32, #tpu.memory_space<hbm>>
    %dma_wait3A_110 = arith.constant 0 : i32
    %dma_wait3A_111 = tpu.memref_slice %arg4[%select_n3A, %add3A_106, %dma_wait3A_110] : memref<4x2048x1024xf32, #tpu.memory_space<hbm>> -> memref<1x16x1024xf32, #tpu.memory_space<hbm>>
    %dma_wait3A_112 = tpu.memref_squeeze %dma_wait3A_111 : memref<1x16x1024xf32, #tpu.memory_space<hbm>> -> memref<16x1024xf32, #tpu.memory_space<hbm>>
    tpu.wait_dma2 semaphore(%arg21 : memref<!tpu.dma_semaphore, #tpu.memory_space<semaphore_mem>>) src(%arg7 : memref<16x1024xf32, #tpu.memory_space<vmem>>) dst(%dma_wait3A_112 : memref<16x1024xf32, #tpu.memory_space<hbm>>)
    %dma_start3A_113 = arith.constant 128 : i32
    %dma_start3A_114 = tpu.memref_slice %arg5[%dma_start3A_113] : memref<256xi32, #tpu.memory_space<vmem>> -> memref<16xi32, #tpu.memory_space<vmem>>
    %dma_start3A_115 = arith.constant 0 : i32
    %dma_start3A_116 = arith.constant 0 : i32
    %dma_start3A_117 = tpu.memref_slice %arg3[%dma_start3A_115, %dma_start3A_116] : memref<51200x1024xf32, #tpu.memory_space<hbm>> -> memref<51200x1024xf32, #tpu.memory_space<hbm>>
    tpu.enqueue_indirect_dma source(%dma_start3A_117 : memref<51200x1024xf32, #tpu.memory_space<hbm>>) target(%arg7 : memref<16x1024xf32, #tpu.memory_space<vmem>>) offsets(%dma_start3A_114 : memref<16xi32, #tpu.memory_space<vmem>>) semaphore(%arg14 : memref<!tpu.dma_semaphore, #tpu.memory_space<semaphore_mem>>)
    %dma_wait3A_118 = arith.constant 32 : i32
    %dma_wait3A_119 = tpu.memref_slice %arg5[%dma_wait3A_118] : memref<256xi32, #tpu.memory_space<vmem>> -> memref<16xi32, #tpu.memory_space<vmem>>
    %dma_wait3A_120 = arith.constant 0 : i32
    %dma_wait3A_121 = arith.constant 0 : i32
    %dma_wait3A_122 = tpu.memref_slice %arg3[%dma_wait3A_120, %dma_wait3A_121] : memref<51200x1024xf32, #tpu.memory_space<hbm>> -> memref<51200x1024xf32, #tpu.memory_space<hbm>>
    tpu.wait_indirect_dma semaphore(%arg15 : memref<!tpu.dma_semaphore, #tpu.memory_space<semaphore_mem>>) src(%dma_wait3A_122 : memref<51200x1024xf32, #tpu.memory_space<hbm>>) dst(%arg8 : memref<16x1024xf32, #tpu.memory_space<vmem>>)
    %add3A_123 = arith.constant 32 : i32
    %add3A_124 = arith.addi %mul3A_32, %add3A_123 : i32
    %dma_start3A_125 = arith.constant 0 : i32
    %dma_start3A_126 = tpu.memref_slice %arg4[%select_n3A, %add3A_124, %dma_start3A_125] : memref<4x2048x1024xf32, #tpu.memory_space<hbm>> -> memref<1x16x1024xf32, #tpu.memory_space<hbm>>
    %dma_start3A_127 = tpu.memref_squeeze %dma_start3A_126 : memref<1x16x1024xf32, #tpu.memory_space<hbm>> -> memref<16x1024xf32, #tpu.memory_space<hbm>>
    %dma_start3A_128 = arith.constant 0 : i32
    %dma_start3A_129 = tpu.memref_slice %arg4[%select_n3A, %add3A_124, %dma_start3A_128] : memref<4x2048x1024xf32, #tpu.memory_space<hbm>> -> memref<1x16x1024xf32, #tpu.memory_space<hbm>>
    %dma_start3A_130 = tpu.memref_squeeze %dma_start3A_129 : memref<1x16x1024xf32, #tpu.memory_space<hbm>> -> memref<16x1024xf32, #tpu.memory_space<hbm>>
    tpu.enqueue_dma source(%arg8 : memref<16x1024xf32, #tpu.memory_space<vmem>>) target(%dma_start3A_130 : memref<16x1024xf32, #tpu.memory_space<hbm>>) target_semaphore(%arg22 : memref<!tpu.dma_semaphore, #tpu.memory_space<semaphore_mem>>)
    %add3A_131 = arith.constant 32 : i32
    %add3A_132 = arith.addi %mul3A_32, %add3A_131 : i32
    %dma_wait3A_133 = arith.constant 0 : i32
    %dma_wait3A_134 = tpu.memref_slice %arg4[%select_n3A, %add3A_132, %dma_wait3A_133] : memref<4x2048x1024xf32, #tpu.memory_space<hbm>> -> memref<1x16x1024xf32, #tpu.memory_space<hbm>>
    %dma_wait3A_135 = tpu.memref_squeeze %dma_wait3A_134 : memref<1x16x1024xf32, #tpu.memory_space<hbm>> -> memref<16x1024xf32, #tpu.memory_space<hbm>>
    %dma_wait3A_136 = arith.constant 0 : i32
    %dma_wait3A_137 = tpu.memref_slice %arg4[%select_n3A, %add3A_132, %dma_wait3A_136] : memref<4x2048x1024xf32, #tpu.memory_space<hbm>> -> memref<1x16x1024xf32, #tpu.memory_space<hbm>>
    %dma_wait3A_138 = tpu.memref_squeeze %dma_wait3A_137 : memref<1x16x1024xf32, #tpu.memory_space<hbm>> -> memref<16x1024xf32, #tpu.memory_space<hbm>>
    tpu.wait_dma2 semaphore(%arg22 : memref<!tpu.dma_semaphore, #tpu.memory_space<semaphore_mem>>) src(%arg8 : memref<16x1024xf32, #tpu.memory_space<vmem>>) dst(%dma_wait3A_138 : memref<16x1024xf32, #tpu.memory_space<hbm>>)
    %dma_start3A_139 = arith.constant 144 : i32
    %dma_start3A_140 = tpu.memref_slice %arg5[%dma_start3A_139] : memref<256xi32, #tpu.memory_space<vmem>> -> memref<16xi32, #tpu.memory_space<vmem>>
    %dma_start3A_141 = arith.constant 0 : i32
    %dma_start3A_142 = arith.constant 0 : i32
    %dma_start3A_143 = tpu.memref_slice %arg3[%dma_start3A_141, %dma_start3A_142] : memref<51200x1024xf32, #tpu.memory_space<hbm>> -> memref<51200x1024xf32, #tpu.memory_space<hbm>>
    tpu.enqueue_indirect_dma source(%dma_start3A_143 : memref<51200x1024xf32, #tpu.memory_space<hbm>>) target(%arg8 : memref<16x1024xf32, #tpu.memory_space<vmem>>) offsets(%dma_start3A_140 : memref<16xi32, #tpu.memory_space<vmem>>) semaphore(%arg15 : memref<!tpu.dma_semaphore, #tpu.memory_space<semaphore_mem>>)
    %dma_wait3A_144 = arith.constant 48 : i32
    %dma_wait3A_145 = tpu.memref_slice %arg5[%dma_wait3A_144] : memref<256xi32, #tpu.memory_space<vmem>> -> memref<16xi32, #tpu.memory_space<vmem>>
    %dma_wait3A_146 = arith.constant 0 : i32
    %dma_wait3A_147 = arith.constant 0 : i32
    %dma_wait3A_148 = tpu.memref_slice %arg3[%dma_wait3A_146, %dma_wait3A_147] : memref<51200x1024xf32, #tpu.memory_space<hbm>> -> memref<51200x1024xf32, #tpu.memory_space<hbm>>
    tpu.wait_indirect_dma semaphore(%arg16 : memref<!tpu.dma_semaphore, #tpu.memory_space<semaphore_mem>>) src(%dma_wait3A_148 : memref<51200x1024xf32, #tpu.memory_space<hbm>>) dst(%arg9 : memref<16x1024xf32, #tpu.memory_space<vmem>>)
    %add3A_149 = arith.constant 48 : i32
    %add3A_150 = arith.addi %mul3A_32, %add3A_149 : i32
    %dma_start3A_151 = arith.constant 0 : i32
    %dma_start3A_152 = tpu.memref_slice %arg4[%select_n3A, %add3A_150, %dma_start3A_151] : memref<4x2048x1024xf32, #tpu.memory_space<hbm>> -> memref<1x16x1024xf32, #tpu.memory_space<hbm>>
    %dma_start3A_153 = tpu.memref_squeeze %dma_start3A_152 : memref<1x16x1024xf32, #tpu.memory_space<hbm>> -> memref<16x1024xf32, #tpu.memory_space<hbm>>
    %dma_start3A_154 = arith.constant 0 : i32
    %dma_start3A_155 = tpu.memref_slice %arg4[%select_n3A, %add3A_150, %dma_start3A_154] : memref<4x2048x1024xf32, #tpu.memory_space<hbm>> -> memref<1x16x1024xf32, #tpu.memory_space<hbm>>
    %dma_start3A_156 = tpu.memref_squeeze %dma_start3A_155 : memref<1x16x1024xf32, #tpu.memory_space<hbm>> -> memref<16x1024xf32, #tpu.memory_space<hbm>>
    tpu.enqueue_dma source(%arg9 : memref<16x1024xf32, #tpu.memory_space<vmem>>) target(%dma_start3A_156 : memref<16x1024xf32, #tpu.memory_space<hbm>>) target_semaphore(%arg23 : memref<!tpu.dma_semaphore, #tpu.memory_space<semaphore_mem>>)
    %add3A_157 = arith.constant 48 : i32
    %add3A_158 = arith.addi %mul3A_32, %add3A_157 : i32
    %dma_wait3A_159 = arith.constant 0 : i32
    %dma_wait3A_160 = tpu.memref_slice %arg4[%select_n3A, %add3A_158, %dma_wait3A_159] : memref<4x2048x1024xf32, #tpu.memory_space<hbm>> -> memref<1x16x1024xf32, #tpu.memory_space<hbm>>
    %dma_wait3A_161 = tpu.memref_squeeze %dma_wait3A_160 : memref<1x16x1024xf32, #tpu.memory_space<hbm>> -> memref<16x1024xf32, #tpu.memory_space<hbm>>
    %dma_wait3A_162 = arith.constant 0 : i32
    %dma_wait3A_163 = tpu.memref_slice %arg4[%select_n3A, %add3A_158, %dma_wait3A_162] : memref<4x2048x1024xf32, #tpu.memory_space<hbm>> -> memref<1x16x1024xf32, #tpu.memory_space<hbm>>
    %dma_wait3A_164 = tpu.memref_squeeze %dma_wait3A_163 : memref<1x16x1024xf32, #tpu.memory_space<hbm>> -> memref<16x1024xf32, #tpu.memory_space<hbm>>
    tpu.wait_dma2 semaphore(%arg23 : memref<!tpu.dma_semaphore, #tpu.memory_space<semaphore_mem>>) src(%arg9 : memref<16x1024xf32, #tpu.memory_space<vmem>>) dst(%dma_wait3A_164 : memref<16x1024xf32, #tpu.memory_space<hbm>>)
    %dma_start3A_165 = arith.constant 160 : i32
    %dma_start3A_166 = tpu.memref_slice %arg5[%dma_start3A_165] : memref<256xi32, #tpu.memory_space<vmem>> -> memref<16xi32, #tpu.memory_space<vmem>>
    %dma_start3A_167 = arith.constant 0 : i32
    %dma_start3A_168 = arith.constant 0 : i32
    %dma_start3A_169 = tpu.memref_slice %arg3[%dma_start3A_167, %dma_start3A_168] : memref<51200x1024xf32, #tpu.memory_space<hbm>> -> memref<51200x1024xf32, #tpu.memory_space<hbm>>
    tpu.enqueue_indirect_dma source(%dma_start3A_169 : memref<51200x1024xf32, #tpu.memory_space<hbm>>) target(%arg9 : memref<16x1024xf32, #tpu.memory_space<vmem>>) offsets(%dma_start3A_166 : memref<16xi32, #tpu.memory_space<vmem>>) semaphore(%arg16 : memref<!tpu.dma_semaphore, #tpu.memory_space<semaphore_mem>>)
    %dma_wait3A_170 = arith.constant 64 : i32
    %dma_wait3A_171 = tpu.memref_slice %arg5[%dma_wait3A_170] : memref<256xi32, #tpu.memory_space<vmem>> -> memref<16xi32, #tpu.memory_space<vmem>>
    %dma_wait3A_172 = arith.constant 0 : i32
    %dma_wait3A_173 = arith.constant 0 : i32
    %dma_wait3A_174 = tpu.memref_slice %arg3[%dma_wait3A_172, %dma_wait3A_173] : memref<51200x1024xf32, #tpu.memory_space<hbm>> -> memref<51200x1024xf32, #tpu.memory_space<hbm>>
    tpu.wait_indirect_dma semaphore(%arg17 : memref<!tpu.dma_semaphore, #tpu.memory_space<semaphore_mem>>) src(%dma_wait3A_174 : memref<51200x1024xf32, #tpu.memory_space<hbm>>) dst(%arg10 : memref<16x1024xf32, #tpu.memory_space<vmem>>)
    %add3A_175 = arith.constant 64 : i32
    %add3A_176 = arith.addi %mul3A_32, %add3A_175 : i32
    %dma_start3A_177 = arith.constant 0 : i32
    %dma_start3A_178 = tpu.memref_slice %arg4[%select_n3A, %add3A_176, %dma_start3A_177] : memref<4x2048x1024xf32, #tpu.memory_space<hbm>> -> memref<1x16x1024xf32, #tpu.memory_space<hbm>>
    %dma_start3A_179 = tpu.memref_squeeze %dma_start3A_178 : memref<1x16x1024xf32, #tpu.memory_space<hbm>> -> memref<16x1024xf32, #tpu.memory_space<hbm>>
    %dma_start3A_180 = arith.constant 0 : i32
    %dma_start3A_181 = tpu.memref_slice %arg4[%select_n3A, %add3A_176, %dma_start3A_180] : memref<4x2048x1024xf32, #tpu.memory_space<hbm>> -> memref<1x16x1024xf32, #tpu.memory_space<hbm>>
    %dma_start3A_182 = tpu.memref_squeeze %dma_start3A_181 : memref<1x16x1024xf32, #tpu.memory_space<hbm>> -> memref<16x1024xf32, #tpu.memory_space<hbm>>
    tpu.enqueue_dma source(%arg10 : memref<16x1024xf32, #tpu.memory_space<vmem>>) target(%dma_start3A_182 : memref<16x1024xf32, #tpu.memory_space<hbm>>) target_semaphore(%arg24 : memref<!tpu.dma_semaphore, #tpu.memory_space<semaphore_mem>>)
    %add3A_183 = arith.constant 64 : i32
    %add3A_184 = arith.addi %mul3A_32, %add3A_183 : i32
    %dma_wait3A_185 = arith.constant 0 : i32
    %dma_wait3A_186 = tpu.memref_slice %arg4[%select_n3A, %add3A_184, %dma_wait3A_185] : memref<4x2048x1024xf32, #tpu.memory_space<hbm>> -> memref<1x16x1024xf32, #tpu.memory_space<hbm>>
    %dma_wait3A_187 = tpu.memref_squeeze %dma_wait3A_186 : memref<1x16x1024xf32, #tpu.memory_space<hbm>> -> memref<16x1024xf32, #tpu.memory_space<hbm>>
    %dma_wait3A_188 = arith.constant 0 : i32
    %dma_wait3A_189 = tpu.memref_slice %arg4[%select_n3A, %add3A_184, %dma_wait3A_188] : memref<4x2048x1024xf32, #tpu.memory_space<hbm>> -> memref<1x16x1024xf32, #tpu.memory_space<hbm>>
    %dma_wait3A_190 = tpu.memref_squeeze %dma_wait3A_189 : memref<1x16x1024xf32, #tpu.memory_space<hbm>> -> memref<16x1024xf32, #tpu.memory_space<hbm>>
    tpu.wait_dma2 semaphore(%arg24 : memref<!tpu.dma_semaphore, #tpu.memory_space<semaphore_mem>>) src(%arg10 : memref<16x1024xf32, #tpu.memory_space<vmem>>) dst(%dma_wait3A_190 : memref<16x1024xf32, #tpu.memory_space<hbm>>)
    %dma_start3A_191 = arith.constant 176 : i32
    %dma_start3A_192 = tpu.memref_slice %arg5[%dma_start3A_191] : memref<256xi32, #tpu.memory_space<vmem>> -> memref<16xi32, #tpu.memory_space<vmem>>
    %dma_start3A_193 = arith.constant 0 : i32
    %dma_start3A_194 = arith.constant 0 : i32
    %dma_start3A_195 = tpu.memref_slice %arg3[%dma_start3A_193, %dma_start3A_194] : memref<51200x1024xf32, #tpu.memory_space<hbm>> -> memref<51200x1024xf32, #tpu.memory_space<hbm>>
    tpu.enqueue_indirect_dma source(%dma_start3A_195 : memref<51200x1024xf32, #tpu.memory_space<hbm>>) target(%arg10 : memref<16x1024xf32, #tpu.memory_space<vmem>>) offsets(%dma_start3A_192 : memref<16xi32, #tpu.memory_space<vmem>>) semaphore(%arg17 : memref<!tpu.dma_semaphore, #tpu.memory_space<semaphore_mem>>)
    %dma_wait3A_196 = arith.constant 80 : i32
    %dma_wait3A_197 = tpu.memref_slice %arg5[%dma_wait3A_196] : memref<256xi32, #tpu.memory_space<vmem>> -> memref<16xi32, #tpu.memory_space<vmem>>
    %dma_wait3A_198 = arith.constant 0 : i32
    %dma_wait3A_199 = arith.constant 0 : i32
    %dma_wait3A_200 = tpu.memref_slice %arg3[%dma_wait3A_198, %dma_wait3A_199] : memref<51200x1024xf32, #tpu.memory_space<hbm>> -> memref<51200x1024xf32, #tpu.memory_space<hbm>>
    tpu.wait_indirect_dma semaphore(%arg18 : memref<!tpu.dma_semaphore, #tpu.memory_space<semaphore_mem>>) src(%dma_wait3A_200 : memref<51200x1024xf32, #tpu.memory_space<hbm>>) dst(%arg11 : memref<16x1024xf32, #tpu.memory_space<vmem>>)
    %add3A_201 = arith.constant 80 : i32
    %add3A_202 = arith.addi %mul3A_32, %add3A_201 : i32
    %dma_start3A_203 = arith.constant 0 : i32
    %dma_start3A_204 = tpu.memref_slice %arg4[%select_n3A, %add3A_202, %dma_start3A_203] : memref<4x2048x1024xf32, #tpu.memory_space<hbm>> -> memref<1x16x1024xf32, #tpu.memory_space<hbm>>
    %dma_start3A_205 = tpu.memref_squeeze %dma_start3A_204 : memref<1x16x1024xf32, #tpu.memory_space<hbm>> -> memref<16x1024xf32, #tpu.memory_space<hbm>>
    %dma_start3A_206 = arith.constant 0 : i32
    %dma_start3A_207 = tpu.memref_slice %arg4[%select_n3A, %add3A_202, %dma_start3A_206] : memref<4x2048x1024xf32, #tpu.memory_space<hbm>> -> memref<1x16x1024xf32, #tpu.memory_space<hbm>>
    %dma_start3A_208 = tpu.memref_squeeze %dma_start3A_207 : memref<1x16x1024xf32, #tpu.memory_space<hbm>> -> memref<16x1024xf32, #tpu.memory_space<hbm>>
    tpu.enqueue_dma source(%arg11 : memref<16x1024xf32, #tpu.memory_space<vmem>>) target(%dma_start3A_208 : memref<16x1024xf32, #tpu.memory_space<hbm>>) target_semaphore(%arg25 : memref<!tpu.dma_semaphore, #tpu.memory_space<semaphore_mem>>)
    %add3A_209 = arith.constant 80 : i32
    %add3A_210 = arith.addi %mul3A_32, %add3A_209 : i32
    %dma_wait3A_211 = arith.constant 0 : i32
    %dma_wait3A_212 = tpu.memref_slice %arg4[%select_n3A, %add3A_210, %dma_wait3A_211] : memref<4x2048x1024xf32, #tpu.memory_space<hbm>> -> memref<1x16x1024xf32, #tpu.memory_space<hbm>>
    %dma_wait3A_213 = tpu.memref_squeeze %dma_wait3A_212 : memref<1x16x1024xf32, #tpu.memory_space<hbm>> -> memref<16x1024xf32, #tpu.memory_space<hbm>>
    %dma_wait3A_214 = arith.constant 0 : i32
    %dma_wait3A_215 = tpu.memref_slice %arg4[%select_n3A, %add3A_210, %dma_wait3A_214] : memref<4x2048x1024xf32, #tpu.memory_space<hbm>> -> memref<1x16x1024xf32, #tpu.memory_space<hbm>>
    %dma_wait3A_216 = tpu.memref_squeeze %dma_wait3A_215 : memref<1x16x1024xf32, #tpu.memory_space<hbm>> -> memref<16x1024xf32, #tpu.memory_space<hbm>>
    tpu.wait_dma2 semaphore(%arg25 : memref<!tpu.dma_semaphore, #tpu.memory_space<semaphore_mem>>) src(%arg11 : memref<16x1024xf32, #tpu.memory_space<vmem>>) dst(%dma_wait3A_216 : memref<16x1024xf32, #tpu.memory_space<hbm>>)
    %dma_start3A_217 = arith.constant 192 : i32
    %dma_start3A_218 = tpu.memref_slice %arg5[%dma_start3A_217] : memref<256xi32, #tpu.memory_space<vmem>> -> memref<16xi32, #tpu.memory_space<vmem>>
    %dma_start3A_219 = arith.constant 0 : i32
    %dma_start3A_220 = arith.constant 0 : i32
    %dma_start3A_221 = tpu.memref_slice %arg3[%dma_start3A_219, %dma_start3A_220] : memref<51200x1024xf32, #tpu.memory_space<hbm>> -> memref<51200x1024xf32, #tpu.memory_space<hbm>>
    tpu.enqueue_indirect_dma source(%dma_start3A_221 : memref<51200x1024xf32, #tpu.memory_space<hbm>>) target(%arg11 : memref<16x1024xf32, #tpu.memory_space<vmem>>) offsets(%dma_start3A_218 : memref<16xi32, #tpu.memory_space<vmem>>) semaphore(%arg18 : memref<!tpu.dma_semaphore, #tpu.memory_space<semaphore_mem>>)
    %dma_wait3A_222 = arith.constant 96 : i32
    %dma_wait3A_223 = tpu.memref_slice %arg5[%dma_wait3A_222] : memref<256xi32, #tpu.memory_space<vmem>> -> memref<16xi32, #tpu.memory_space<vmem>>
    %dma_wait3A_224 = arith.constant 0 : i32
    %dma_wait3A_225 = arith.constant 0 : i32
    %dma_wait3A_226 = tpu.memref_slice %arg3[%dma_wait3A_224, %dma_wait3A_225] : memref<51200x1024xf32, #tpu.memory_space<hbm>> -> memref<51200x1024xf32, #tpu.memory_space<hbm>>
    tpu.wait_indirect_dma semaphore(%arg19 : memref<!tpu.dma_semaphore, #tpu.memory_space<semaphore_mem>>) src(%dma_wait3A_226 : memref<51200x1024xf32, #tpu.memory_space<hbm>>) dst(%arg12 : memref<16x1024xf32, #tpu.memory_space<vmem>>)
    %add3A_227 = arith.constant 96 : i32
    %add3A_228 = arith.addi %mul3A_32, %add3A_227 : i32
    %dma_start3A_229 = arith.constant 0 : i32
    %dma_start3A_230 = tpu.memref_slice %arg4[%select_n3A, %add3A_228, %dma_start3A_229] : memref<4x2048x1024xf32, #tpu.memory_space<hbm>> -> memref<1x16x1024xf32, #tpu.memory_space<hbm>>
    %dma_start3A_231 = tpu.memref_squeeze %dma_start3A_230 : memref<1x16x1024xf32, #tpu.memory_space<hbm>> -> memref<16x1024xf32, #tpu.memory_space<hbm>>
    %dma_start3A_232 = arith.constant 0 : i32
    %dma_start3A_233 = tpu.memref_slice %arg4[%select_n3A, %add3A_228, %dma_start3A_232] : memref<4x2048x1024xf32, #tpu.memory_space<hbm>> -> memref<1x16x1024xf32, #tpu.memory_space<hbm>>
    %dma_start3A_234 = tpu.memref_squeeze %dma_start3A_233 : memref<1x16x1024xf32, #tpu.memory_space<hbm>> -> memref<16x1024xf32, #tpu.memory_space<hbm>>
    tpu.enqueue_dma source(%arg12 : memref<16x1024xf32, #tpu.memory_space<vmem>>) target(%dma_start3A_234 : memref<16x1024xf32, #tpu.memory_space<hbm>>) target_semaphore(%arg26 : memref<!tpu.dma_semaphore, #tpu.memory_space<semaphore_mem>>)
    %add3A_235 = arith.constant 96 : i32
    %add3A_236 = arith.addi %mul3A_32, %add3A_235 : i32
    %dma_wait3A_237 = arith.constant 0 : i32
    %dma_wait3A_238 = tpu.memref_slice %arg4[%select_n3A, %add3A_236, %dma_wait3A_237] : memref<4x2048x1024xf32, #tpu.memory_space<hbm>> -> memref<1x16x1024xf32, #tpu.memory_space<hbm>>
    %dma_wait3A_239 = tpu.memref_squeeze %dma_wait3A_238 : memref<1x16x1024xf32, #tpu.memory_space<hbm>> -> memref<16x1024xf32, #tpu.memory_space<hbm>>
    %dma_wait3A_240 = arith.constant 0 : i32
    %dma_wait3A_241 = tpu.memref_slice %arg4[%select_n3A, %add3A_236, %dma_wait3A_240] : memref<4x2048x1024xf32, #tpu.memory_space<hbm>> -> memref<1x16x1024xf32, #tpu.memory_space<hbm>>
    %dma_wait3A_242 = tpu.memref_squeeze %dma_wait3A_241 : memref<1x16x1024xf32, #tpu.memory_space<hbm>> -> memref<16x1024xf32, #tpu.memory_space<hbm>>
    tpu.wait_dma2 semaphore(%arg26 : memref<!tpu.dma_semaphore, #tpu.memory_space<semaphore_mem>>) src(%arg12 : memref<16x1024xf32, #tpu.memory_space<vmem>>) dst(%dma_wait3A_242 : memref<16x1024xf32, #tpu.memory_space<hbm>>)
    %dma_start3A_243 = arith.constant 208 : i32
    %dma_start3A_244 = tpu.memref_slice %arg5[%dma_start3A_243] : memref<256xi32, #tpu.memory_space<vmem>> -> memref<16xi32, #tpu.memory_space<vmem>>
    %dma_start3A_245 = arith.constant 0 : i32
    %dma_start3A_246 = arith.constant 0 : i32
    %dma_start3A_247 = tpu.memref_slice %arg3[%dma_start3A_245, %dma_start3A_246] : memref<51200x1024xf32, #tpu.memory_space<hbm>> -> memref<51200x1024xf32, #tpu.memory_space<hbm>>
    tpu.enqueue_indirect_dma source(%dma_start3A_247 : memref<51200x1024xf32, #tpu.memory_space<hbm>>) target(%arg12 : memref<16x1024xf32, #tpu.memory_space<vmem>>) offsets(%dma_start3A_244 : memref<16xi32, #tpu.memory_space<vmem>>) semaphore(%arg19 : memref<!tpu.dma_semaphore, #tpu.memory_space<semaphore_mem>>)
    %dma_wait3A_248 = arith.constant 112 : i32
    %dma_wait3A_249 = tpu.memref_slice %arg5[%dma_wait3A_248] : memref<256xi32, #tpu.memory_space<vmem>> -> memref<16xi32, #tpu.memory_space<vmem>>
    %dma_wait3A_250 = arith.constant 0 : i32
    %dma_wait3A_251 = arith.constant 0 : i32
    %dma_wait3A_252 = tpu.memref_slice %arg3[%dma_wait3A_250, %dma_wait3A_251] : memref<51200x1024xf32, #tpu.memory_space<hbm>> -> memref<51200x1024xf32, #tpu.memory_space<hbm>>
    tpu.wait_indirect_dma semaphore(%arg13 : memref<!tpu.dma_semaphore, #tpu.memory_space<semaphore_mem>>) src(%dma_wait3A_252 : memref<51200x1024xf32, #tpu.memory_space<hbm>>) dst(%arg6 : memref<16x1024xf32, #tpu.memory_space<vmem>>)
    %add3A_253 = arith.constant 112 : i32
    %add3A_254 = arith.addi %mul3A_32, %add3A_253 : i32
    %dma_start3A_255 = arith.constant 0 : i32
    %dma_start3A_256 = tpu.memref_slice %arg4[%select_n3A, %add3A_254, %dma_start3A_255] : memref<4x2048x1024xf32, #tpu.memory_space<hbm>> -> memref<1x16x1024xf32, #tpu.memory_space<hbm>>
    %dma_start3A_257 = tpu.memref_squeeze %dma_start3A_256 : memref<1x16x1024xf32, #tpu.memory_space<hbm>> -> memref<16x1024xf32, #tpu.memory_space<hbm>>
    %dma_start3A_258 = arith.constant 0 : i32
    %dma_start3A_259 = tpu.memref_slice %arg4[%select_n3A, %add3A_254, %dma_start3A_258] : memref<4x2048x1024xf32, #tpu.memory_space<hbm>> -> memref<1x16x1024xf32, #tpu.memory_space<hbm>>
    %dma_start3A_260 = tpu.memref_squeeze %dma_start3A_259 : memref<1x16x1024xf32, #tpu.memory_space<hbm>> -> memref<16x1024xf32, #tpu.memory_space<hbm>>
    tpu.enqueue_dma source(%arg6 : memref<16x1024xf32, #tpu.memory_space<vmem>>) target(%dma_start3A_260 : memref<16x1024xf32, #tpu.memory_space<hbm>>) target_semaphore(%arg20 : memref<!tpu.dma_semaphore, #tpu.memory_space<semaphore_mem>>)
    %add3A_261 = arith.constant 112 : i32
    %add3A_262 = arith.addi %mul3A_32, %add3A_261 : i32
    %dma_wait3A_263 = arith.constant 0 : i32
    %dma_wait3A_264 = tpu.memref_slice %arg4[%select_n3A, %add3A_262, %dma_wait3A_263] : memref<4x2048x1024xf32, #tpu.memory_space<hbm>> -> memref<1x16x1024xf32, #tpu.memory_space<hbm>>
    %dma_wait3A_265 = tpu.memref_squeeze %dma_wait3A_264 : memref<1x16x1024xf32, #tpu.memory_space<hbm>> -> memref<16x1024xf32, #tpu.memory_space<hbm>>
    %dma_wait3A_266 = arith.constant 0 : i32
    %dma_wait3A_267 = tpu.memref_slice %arg4[%select_n3A, %add3A_262, %dma_wait3A_266] : memref<4x2048x1024xf32, #tpu.memory_space<hbm>> -> memref<1x16x1024xf32, #tpu.memory_space<hbm>>
    %dma_wait3A_268 = tpu.memref_squeeze %dma_wait3A_267 : memref<1x16x1024xf32, #tpu.memory_space<hbm>> -> memref<16x1024xf32, #tpu.memory_space<hbm>>
    tpu.wait_dma2 semaphore(%arg20 : memref<!tpu.dma_semaphore, #tpu.memory_space<semaphore_mem>>) src(%arg6 : memref<16x1024xf32, #tpu.memory_space<vmem>>) dst(%dma_wait3A_268 : memref<16x1024xf32, #tpu.memory_space<hbm>>)
    %dma_start3A_269 = arith.constant 224 : i32
    %dma_start3A_270 = tpu.memref_slice %arg5[%dma_start3A_269] : memref<256xi32, #tpu.memory_space<vmem>> -> memref<16xi32, #tpu.memory_space<vmem>>
    %dma_start3A_271 = arith.constant 0 : i32
    %dma_start3A_272 = arith.constant 0 : i32
    %dma_start3A_273 = tpu.memref_slice %arg3[%dma_start3A_271, %dma_start3A_272] : memref<51200x1024xf32, #tpu.memory_space<hbm>> -> memref<51200x1024xf32, #tpu.memory_space<hbm>>
    tpu.enqueue_indirect_dma source(%dma_start3A_273 : memref<51200x1024xf32, #tpu.memory_space<hbm>>) target(%arg6 : memref<16x1024xf32, #tpu.memory_space<vmem>>) offsets(%dma_start3A_270 : memref<16xi32, #tpu.memory_space<vmem>>) semaphore(%arg13 : memref<!tpu.dma_semaphore, #tpu.memory_space<semaphore_mem>>)
    %dma_wait3A_274 = arith.constant 128 : i32
    %dma_wait3A_275 = tpu.memref_slice %arg5[%dma_wait3A_274] : memref<256xi32, #tpu.memory_space<vmem>> -> memref<16xi32, #tpu.memory_space<vmem>>
    %dma_wait3A_276 = arith.constant 0 : i32
    %dma_wait3A_277 = arith.constant 0 : i32
    %dma_wait3A_278 = tpu.memref_slice %arg3[%dma_wait3A_276, %dma_wait3A_277] : memref<51200x1024xf32, #tpu.memory_space<hbm>> -> memref<51200x1024xf32, #tpu.memory_space<hbm>>
    tpu.wait_indirect_dma semaphore(%arg14 : memref<!tpu.dma_semaphore, #tpu.memory_space<semaphore_mem>>) src(%dma_wait3A_278 : memref<51200x1024xf32, #tpu.memory_space<hbm>>) dst(%arg7 : memref<16x1024xf32, #tpu.memory_space<vmem>>)
    %add3A_279 = arith.constant 128 : i32
    %add3A_280 = arith.addi %mul3A_32, %add3A_279 : i32
    %dma_start3A_281 = arith.constant 0 : i32
    %dma_start3A_282 = tpu.memref_slice %arg4[%select_n3A, %add3A_280, %dma_start3A_281] : memref<4x2048x1024xf32, #tpu.memory_space<hbm>> -> memref<1x16x1024xf32, #tpu.memory_space<hbm>>
    %dma_start3A_283 = tpu.memref_squeeze %dma_start3A_282 : memref<1x16x1024xf32, #tpu.memory_space<hbm>> -> memref<16x1024xf32, #tpu.memory_space<hbm>>
    %dma_start3A_284 = arith.constant 0 : i32
    %dma_start3A_285 = tpu.memref_slice %arg4[%select_n3A, %add3A_280, %dma_start3A_284] : memref<4x2048x1024xf32, #tpu.memory_space<hbm>> -> memref<1x16x1024xf32, #tpu.memory_space<hbm>>
    %dma_start3A_286 = tpu.memref_squeeze %dma_start3A_285 : memref<1x16x1024xf32, #tpu.memory_space<hbm>> -> memref<16x1024xf32, #tpu.memory_space<hbm>>
    tpu.enqueue_dma source(%arg7 : memref<16x1024xf32, #tpu.memory_space<vmem>>) target(%dma_start3A_286 : memref<16x1024xf32, #tpu.memory_space<hbm>>) target_semaphore(%arg21 : memref<!tpu.dma_semaphore, #tpu.memory_space<semaphore_mem>>)
    %add3A_287 = arith.constant 128 : i32
    %add3A_288 = arith.addi %mul3A_32, %add3A_287 : i32
    %dma_wait3A_289 = arith.constant 0 : i32
    %dma_wait3A_290 = tpu.memref_slice %arg4[%select_n3A, %add3A_288, %dma_wait3A_289] : memref<4x2048x1024xf32, #tpu.memory_space<hbm>> -> memref<1x16x1024xf32, #tpu.memory_space<hbm>>
    %dma_wait3A_291 = tpu.memref_squeeze %dma_wait3A_290 : memref<1x16x1024xf32, #tpu.memory_space<hbm>> -> memref<16x1024xf32, #tpu.memory_space<hbm>>
    %dma_wait3A_292 = arith.constant 0 : i32
    %dma_wait3A_293 = tpu.memref_slice %arg4[%select_n3A, %add3A_288, %dma_wait3A_292] : memref<4x2048x1024xf32, #tpu.memory_space<hbm>> -> memref<1x16x1024xf32, #tpu.memory_space<hbm>>
    %dma_wait3A_294 = tpu.memref_squeeze %dma_wait3A_293 : memref<1x16x1024xf32, #tpu.memory_space<hbm>> -> memref<16x1024xf32, #tpu.memory_space<hbm>>
    tpu.wait_dma2 semaphore(%arg21 : memref<!tpu.dma_semaphore, #tpu.memory_space<semaphore_mem>>) src(%arg7 : memref<16x1024xf32, #tpu.memory_space<vmem>>) dst(%dma_wait3A_294 : memref<16x1024xf32, #tpu.memory_space<hbm>>)
    %dma_start3A_295 = arith.constant 240 : i32
    %dma_start3A_296 = tpu.memref_slice %arg5[%dma_start3A_295] : memref<256xi32, #tpu.memory_space<vmem>> -> memref<16xi32, #tpu.memory_space<vmem>>
    %dma_start3A_297 = arith.constant 0 : i32
    %dma_start3A_298 = arith.constant 0 : i32
    %dma_start3A_299 = tpu.memref_slice %arg3[%dma_start3A_297, %dma_start3A_298] : memref<51200x1024xf32, #tpu.memory_space<hbm>> -> memref<51200x1024xf32, #tpu.memory_space<hbm>>
    tpu.enqueue_indirect_dma source(%dma_start3A_299 : memref<51200x1024xf32, #tpu.memory_space<hbm>>) target(%arg7 : memref<16x1024xf32, #tpu.memory_space<vmem>>) offsets(%dma_start3A_296 : memref<16xi32, #tpu.memory_space<vmem>>) semaphore(%arg14 : memref<!tpu.dma_semaphore, #tpu.memory_space<semaphore_mem>>)
    %dma_wait3A_300 = arith.constant 144 : i32
    %dma_wait3A_301 = tpu.memref_slice %arg5[%dma_wait3A_300] : memref<256xi32, #tpu.memory_space<vmem>> -> memref<16xi32, #tpu.memory_space<vmem>>
    %dma_wait3A_302 = arith.constant 0 : i32
    %dma_wait3A_303 = arith.constant 0 : i32
    %dma_wait3A_304 = tpu.memref_slice %arg3[%dma_wait3A_302, %dma_wait3A_303] : memref<51200x1024xf32, #tpu.memory_space<hbm>> -> memref<51200x1024xf32, #tpu.memory_space<hbm>>
    tpu.wait_indirect_dma semaphore(%arg15 : memref<!tpu.dma_semaphore, #tpu.memory_space<semaphore_mem>>) src(%dma_wait3A_304 : memref<51200x1024xf32, #tpu.memory_space<hbm>>) dst(%arg8 : memref<16x1024xf32, #tpu.memory_space<vmem>>)
    %add3A_305 = arith.constant 144 : i32
    %add3A_306 = arith.addi %mul3A_32, %add3A_305 : i32
    %dma_start3A_307 = arith.constant 0 : i32
    %dma_start3A_308 = tpu.memref_slice %arg4[%select_n3A, %add3A_306, %dma_start3A_307] : memref<4x2048x1024xf32, #tpu.memory_space<hbm>> -> memref<1x16x1024xf32, #tpu.memory_space<hbm>>
    %dma_start3A_309 = tpu.memref_squeeze %dma_start3A_308 : memref<1x16x1024xf32, #tpu.memory_space<hbm>> -> memref<16x1024xf32, #tpu.memory_space<hbm>>
    %dma_start3A_310 = arith.constant 0 : i32
    %dma_start3A_311 = tpu.memref_slice %arg4[%select_n3A, %add3A_306, %dma_start3A_310] : memref<4x2048x1024xf32, #tpu.memory_space<hbm>> -> memref<1x16x1024xf32, #tpu.memory_space<hbm>>
    %dma_start3A_312 = tpu.memref_squeeze %dma_start3A_311 : memref<1x16x1024xf32, #tpu.memory_space<hbm>> -> memref<16x1024xf32, #tpu.memory_space<hbm>>
    tpu.enqueue_dma source(%arg8 : memref<16x1024xf32, #tpu.memory_space<vmem>>) target(%dma_start3A_312 : memref<16x1024xf32, #tpu.memory_space<hbm>>) target_semaphore(%arg22 : memref<!tpu.dma_semaphore, #tpu.memory_space<semaphore_mem>>)
    %dma_wait3A_313 = arith.constant 160 : i32
    %dma_wait3A_314 = tpu.memref_slice %arg5[%dma_wait3A_313] : memref<256xi32, #tpu.memory_space<vmem>> -> memref<16xi32, #tpu.memory_space<vmem>>
    %dma_wait3A_315 = arith.constant 0 : i32
    %dma_wait3A_316 = arith.constant 0 : i32
    %dma_wait3A_317 = tpu.memref_slice %arg3[%dma_wait3A_315, %dma_wait3A_316] : memref<51200x1024xf32, #tpu.memory_space<hbm>> -> memref<51200x1024xf32, #tpu.memory_space<hbm>>
    tpu.wait_indirect_dma semaphore(%arg16 : memref<!tpu.dma_semaphore, #tpu.memory_space<semaphore_mem>>) src(%dma_wait3A_317 : memref<51200x1024xf32, #tpu.memory_space<hbm>>) dst(%arg9 : memref<16x1024xf32, #tpu.memory_space<vmem>>)
    %add3A_318 = arith.constant 160 : i32
    %add3A_319 = arith.addi %mul3A_32, %add3A_318 : i32
    %dma_start3A_320 = arith.constant 0 : i32
    %dma_start3A_321 = tpu.memref_slice %arg4[%select_n3A, %add3A_319, %dma_start3A_320] : memref<4x2048x1024xf32, #tpu.memory_space<hbm>> -> memref<1x16x1024xf32, #tpu.memory_space<hbm>>
    %dma_start3A_322 = tpu.memref_squeeze %dma_start3A_321 : memref<1x16x1024xf32, #tpu.memory_space<hbm>> -> memref<16x1024xf32, #tpu.memory_space<hbm>>
    %dma_start3A_323 = arith.constant 0 : i32
    %dma_start3A_324 = tpu.memref_slice %arg4[%select_n3A, %add3A_319, %dma_start3A_323] : memref<4x2048x1024xf32, #tpu.memory_space<hbm>> -> memref<1x16x1024xf32, #tpu.memory_space<hbm>>
    %dma_start3A_325 = tpu.memref_squeeze %dma_start3A_324 : memref<1x16x1024xf32, #tpu.memory_space<hbm>> -> memref<16x1024xf32, #tpu.memory_space<hbm>>
    tpu.enqueue_dma source(%arg9 : memref<16x1024xf32, #tpu.memory_space<vmem>>) target(%dma_start3A_325 : memref<16x1024xf32, #tpu.memory_space<hbm>>) target_semaphore(%arg23 : memref<!tpu.dma_semaphore, #tpu.memory_space<semaphore_mem>>)
    %dma_wait3A_326 = arith.constant 176 : i32
    %dma_wait3A_327 = tpu.memref_slice %arg5[%dma_wait3A_326] : memref<256xi32, #tpu.memory_space<vmem>> -> memref<16xi32, #tpu.memory_space<vmem>>
    %dma_wait3A_328 = arith.constant 0 : i32
    %dma_wait3A_329 = arith.constant 0 : i32
    %dma_wait3A_330 = tpu.memref_slice %arg3[%dma_wait3A_328, %dma_wait3A_329] : memref<51200x1024xf32, #tpu.memory_space<hbm>> -> memref<51200x1024xf32, #tpu.memory_space<hbm>>
    tpu.wait_indirect_dma semaphore(%arg17 : memref<!tpu.dma_semaphore, #tpu.memory_space<semaphore_mem>>) src(%dma_wait3A_330 : memref<51200x1024xf32, #tpu.memory_space<hbm>>) dst(%arg10 : memref<16x1024xf32, #tpu.memory_space<vmem>>)
    %add3A_331 = arith.constant 176 : i32
    %add3A_332 = arith.addi %mul3A_32, %add3A_331 : i32
    %dma_start3A_333 = arith.constant 0 : i32
    %dma_start3A_334 = tpu.memref_slice %arg4[%select_n3A, %add3A_332, %dma_start3A_333] : memref<4x2048x1024xf32, #tpu.memory_space<hbm>> -> memref<1x16x1024xf32, #tpu.memory_space<hbm>>
    %dma_start3A_335 = tpu.memref_squeeze %dma_start3A_334 : memref<1x16x1024xf32, #tpu.memory_space<hbm>> -> memref<16x1024xf32, #tpu.memory_space<hbm>>
    %dma_start3A_336 = arith.constant 0 : i32
    %dma_start3A_337 = tpu.memref_slice %arg4[%select_n3A, %add3A_332, %dma_start3A_336] : memref<4x2048x1024xf32, #tpu.memory_space<hbm>> -> memref<1x16x1024xf32, #tpu.memory_space<hbm>>
    %dma_start3A_338 = tpu.memref_squeeze %dma_start3A_337 : memref<1x16x1024xf32, #tpu.memory_space<hbm>> -> memref<16x1024xf32, #tpu.memory_space<hbm>>
    tpu.enqueue_dma source(%arg10 : memref<16x1024xf32, #tpu.memory_space<vmem>>) target(%dma_start3A_338 : memref<16x1024xf32, #tpu.memory_space<hbm>>) target_semaphore(%arg24 : memref<!tpu.dma_semaphore, #tpu.memory_space<semaphore_mem>>)
    %dma_wait3A_339 = arith.constant 192 : i32
    %dma_wait3A_340 = tpu.memref_slice %arg5[%dma_wait3A_339] : memref<256xi32, #tpu.memory_space<vmem>> -> memref<16xi32, #tpu.memory_space<vmem>>
    %dma_wait3A_341 = arith.constant 0 : i32
    %dma_wait3A_342 = arith.constant 0 : i32
    %dma_wait3A_343 = tpu.memref_slice %arg3[%dma_wait3A_341, %dma_wait3A_342] : memref<51200x1024xf32, #tpu.memory_space<hbm>> -> memref<51200x1024xf32, #tpu.memory_space<hbm>>
    tpu.wait_indirect_dma semaphore(%arg18 : memref<!tpu.dma_semaphore, #tpu.memory_space<semaphore_mem>>) src(%dma_wait3A_343 : memref<51200x1024xf32, #tpu.memory_space<hbm>>) dst(%arg11 : memref<16x1024xf32, #tpu.memory_space<vmem>>)
    %add3A_344 = arith.constant 192 : i32
    %add3A_345 = arith.addi %mul3A_32, %add3A_344 : i32
    %dma_start3A_346 = arith.constant 0 : i32
    %dma_start3A_347 = tpu.memref_slice %arg4[%select_n3A, %add3A_345, %dma_start3A_346] : memref<4x2048x1024xf32, #tpu.memory_space<hbm>> -> memref<1x16x1024xf32, #tpu.memory_space<hbm>>
    %dma_start3A_348 = tpu.memref_squeeze %dma_start3A_347 : memref<1x16x1024xf32, #tpu.memory_space<hbm>> -> memref<16x1024xf32, #tpu.memory_space<hbm>>
    %dma_start3A_349 = arith.constant 0 : i32
    %dma_start3A_350 = tpu.memref_slice %arg4[%select_n3A, %add3A_345, %dma_start3A_349] : memref<4x2048x1024xf32, #tpu.memory_space<hbm>> -> memref<1x16x1024xf32, #tpu.memory_space<hbm>>
    %dma_start3A_351 = tpu.memref_squeeze %dma_start3A_350 : memref<1x16x1024xf32, #tpu.memory_space<hbm>> -> memref<16x1024xf32, #tpu.memory_space<hbm>>
    tpu.enqueue_dma source(%arg11 : memref<16x1024xf32, #tpu.memory_space<vmem>>) target(%dma_start3A_351 : memref<16x1024xf32, #tpu.memory_space<hbm>>) target_semaphore(%arg25 : memref<!tpu.dma_semaphore, #tpu.memory_space<semaphore_mem>>)
    %dma_wait3A_352 = arith.constant 208 : i32
    %dma_wait3A_353 = tpu.memref_slice %arg5[%dma_wait3A_352] : memref<256xi32, #tpu.memory_space<vmem>> -> memref<16xi32, #tpu.memory_space<vmem>>
    %dma_wait3A_354 = arith.constant 0 : i32
    %dma_wait3A_355 = arith.constant 0 : i32
    %dma_wait3A_356 = tpu.memref_slice %arg3[%dma_wait3A_354, %dma_wait3A_355] : memref<51200x1024xf32, #tpu.memory_space<hbm>> -> memref<51200x1024xf32, #tpu.memory_space<hbm>>
    tpu.wait_indirect_dma semaphore(%arg19 : memref<!tpu.dma_semaphore, #tpu.memory_space<semaphore_mem>>) src(%dma_wait3A_356 : memref<51200x1024xf32, #tpu.memory_space<hbm>>) dst(%arg12 : memref<16x1024xf32, #tpu.memory_space<vmem>>)
    %add3A_357 = arith.constant 208 : i32
    %add3A_358 = arith.addi %mul3A_32, %add3A_357 : i32
    %dma_start3A_359 = arith.constant 0 : i32
    %dma_start3A_360 = tpu.memref_slice %arg4[%select_n3A, %add3A_358, %dma_start3A_359] : memref<4x2048x1024xf32, #tpu.memory_space<hbm>> -> memref<1x16x1024xf32, #tpu.memory_space<hbm>>
    %dma_start3A_361 = tpu.memref_squeeze %dma_start3A_360 : memref<1x16x1024xf32, #tpu.memory_space<hbm>> -> memref<16x1024xf32, #tpu.memory_space<hbm>>
    %dma_start3A_362 = arith.constant 0 : i32
    %dma_start3A_363 = tpu.memref_slice %arg4[%select_n3A, %add3A_358, %dma_start3A_362] : memref<4x2048x1024xf32, #tpu.memory_space<hbm>> -> memref<1x16x1024xf32, #tpu.memory_space<hbm>>
    %dma_start3A_364 = tpu.memref_squeeze %dma_start3A_363 : memref<1x16x1024xf32, #tpu.memory_space<hbm>> -> memref<16x1024xf32, #tpu.memory_space<hbm>>
    tpu.enqueue_dma source(%arg12 : memref<16x1024xf32, #tpu.memory_space<vmem>>) target(%dma_start3A_364 : memref<16x1024xf32, #tpu.memory_space<hbm>>) target_semaphore(%arg26 : memref<!tpu.dma_semaphore, #tpu.memory_space<semaphore_mem>>)
    %dma_wait3A_365 = arith.constant 224 : i32
    %dma_wait3A_366 = tpu.memref_slice %arg5[%dma_wait3A_365] : memref<256xi32, #tpu.memory_space<vmem>> -> memref<16xi32, #tpu.memory_space<vmem>>
    %dma_wait3A_367 = arith.constant 0 : i32
    %dma_wait3A_368 = arith.constant 0 : i32
    %dma_wait3A_369 = tpu.memref_slice %arg3[%dma_wait3A_367, %dma_wait3A_368] : memref<51200x1024xf32, #tpu.memory_space<hbm>> -> memref<51200x1024xf32, #tpu.memory_space<hbm>>
    tpu.wait_indirect_dma semaphore(%arg13 : memref<!tpu.dma_semaphore, #tpu.memory_space<semaphore_mem>>) src(%dma_wait3A_369 : memref<51200x1024xf32, #tpu.memory_space<hbm>>) dst(%arg6 : memref<16x1024xf32, #tpu.memory_space<vmem>>)
    %add3A_370 = arith.constant 224 : i32
    %add3A_371 = arith.addi %mul3A_32, %add3A_370 : i32
    %dma_start3A_372 = arith.constant 0 : i32
    %dma_start3A_373 = tpu.memref_slice %arg4[%select_n3A, %add3A_371, %dma_start3A_372] : memref<4x2048x1024xf32, #tpu.memory_space<hbm>> -> memref<1x16x1024xf32, #tpu.memory_space<hbm>>
    %dma_start3A_374 = tpu.memref_squeeze %dma_start3A_373 : memref<1x16x1024xf32, #tpu.memory_space<hbm>> -> memref<16x1024xf32, #tpu.memory_space<hbm>>
    %dma_start3A_375 = arith.constant 0 : i32
    %dma_start3A_376 = tpu.memref_slice %arg4[%select_n3A, %add3A_371, %dma_start3A_375] : memref<4x2048x1024xf32, #tpu.memory_space<hbm>> -> memref<1x16x1024xf32, #tpu.memory_space<hbm>>
    %dma_start3A_377 = tpu.memref_squeeze %dma_start3A_376 : memref<1x16x1024xf32, #tpu.memory_space<hbm>> -> memref<16x1024xf32, #tpu.memory_space<hbm>>
    tpu.enqueue_dma source(%arg6 : memref<16x1024xf32, #tpu.memory_space<vmem>>) target(%dma_start3A_377 : memref<16x1024xf32, #tpu.memory_space<hbm>>) target_semaphore(%arg20 : memref<!tpu.dma_semaphore, #tpu.memory_space<semaphore_mem>>)
    %dma_wait3A_378 = arith.constant 240 : i32
    %dma_wait3A_379 = tpu.memref_slice %arg5[%dma_wait3A_378] : memref<256xi32, #tpu.memory_space<vmem>> -> memref<16xi32, #tpu.memory_space<vmem>>
    %dma_wait3A_380 = arith.constant 0 : i32
    %dma_wait3A_381 = arith.constant 0 : i32
    %dma_wait3A_382 = tpu.memref_slice %arg3[%dma_wait3A_380, %dma_wait3A_381] : memref<51200x1024xf32, #tpu.memory_space<hbm>> -> memref<51200x1024xf32, #tpu.memory_space<hbm>>
    tpu.wait_indirect_dma semaphore(%arg14 : memref<!tpu.dma_semaphore, #tpu.memory_space<semaphore_mem>>) src(%dma_wait3A_382 : memref<51200x1024xf32, #tpu.memory_space<hbm>>) dst(%arg7 : memref<16x1024xf32, #tpu.memory_space<vmem>>)
    %add3A_383 = arith.constant 240 : i32
    %add3A_384 = arith.addi %mul3A_32, %add3A_383 : i32
    %dma_start3A_385 = arith.constant 0 : i32
    %dma_start3A_386 = tpu.memref_slice %arg4[%select_n3A, %add3A_384, %dma_start3A_385] : memref<4x2048x1024xf32, #tpu.memory_space<hbm>> -> memref<1x16x1024xf32, #tpu.memory_space<hbm>>
    %dma_start3A_387 = tpu.memref_squeeze %dma_start3A_386 : memref<1x16x1024xf32, #tpu.memory_space<hbm>> -> memref<16x1024xf32, #tpu.memory_space<hbm>>
    %dma_start3A_388 = arith.constant 0 : i32
    %dma_start3A_389 = tpu.memref_slice %arg4[%select_n3A, %add3A_384, %dma_start3A_388] : memref<4x2048x1024xf32, #tpu.memory_space<hbm>> -> memref<1x16x1024xf32, #tpu.memory_space<hbm>>
    %dma_start3A_390 = tpu.memref_squeeze %dma_start3A_389 : memref<1x16x1024xf32, #tpu.memory_space<hbm>> -> memref<16x1024xf32, #tpu.memory_space<hbm>>
    tpu.enqueue_dma source(%arg7 : memref<16x1024xf32, #tpu.memory_space<vmem>>) target(%dma_start3A_390 : memref<16x1024xf32, #tpu.memory_space<hbm>>) target_semaphore(%arg21 : memref<!tpu.dma_semaphore, #tpu.memory_space<semaphore_mem>>)
    %add3A_391 = arith.constant 144 : i32
    %add3A_392 = arith.addi %mul3A_32, %add3A_391 : i32
    %dma_wait3A_393 = arith.constant 0 : i32
    %dma_wait3A_394 = tpu.memref_slice %arg4[%select_n3A, %add3A_392, %dma_wait3A_393] : memref<4x2048x1024xf32, #tpu.memory_space<hbm>> -> memref<1x16x1024xf32, #tpu.memory_space<hbm>>
    %dma_wait3A_395 = tpu.memref_squeeze %dma_wait3A_394 : memref<1x16x1024xf32, #tpu.memory_space<hbm>> -> memref<16x1024xf32, #tpu.memory_space<hbm>>
    %dma_wait3A_396 = arith.constant 0 : i32
    %dma_wait3A_397 = tpu.memref_slice %arg4[%select_n3A, %add3A_392, %dma_wait3A_396] : memref<4x2048x1024xf32, #tpu.memory_space<hbm>> -> memref<1x16x1024xf32, #tpu.memory_space<hbm>>
    %dma_wait3A_398 = tpu.memref_squeeze %dma_wait3A_397 : memref<1x16x1024xf32, #tpu.memory_space<hbm>> -> memref<16x1024xf32, #tpu.memory_space<hbm>>
    tpu.wait_dma2 semaphore(%arg22 : memref<!tpu.dma_semaphore, #tpu.memory_space<semaphore_mem>>) src(%arg8 : memref<16x1024xf32, #tpu.memory_space<vmem>>) dst(%dma_wait3A_398 : memref<16x1024xf32, #tpu.memory_space<hbm>>)
    %add3A_399 = arith.constant 160 : i32
    %add3A_400 = arith.addi %mul3A_32, %add3A_399 : i32
    %dma_wait3A_401 = arith.constant 0 : i32
    %dma_wait3A_402 = tpu.memref_slice %arg4[%select_n3A, %add3A_400, %dma_wait3A_401] : memref<4x2048x1024xf32, #tpu.memory_space<hbm>> -> memref<1x16x1024xf32, #tpu.memory_space<hbm>>
    %dma_wait3A_403 = tpu.memref_squeeze %dma_wait3A_402 : memref<1x16x1024xf32, #tpu.memory_space<hbm>> -> memref<16x1024xf32, #tpu.memory_space<hbm>>
    %dma_wait3A_404 = arith.constant 0 : i32
    %dma_wait3A_405 = tpu.memref_slice %arg4[%select_n3A, %add3A_400, %dma_wait3A_404] : memref<4x2048x1024xf32, #tpu.memory_space<hbm>> -> memref<1x16x1024xf32, #tpu.memory_space<hbm>>
    %dma_wait3A_406 = tpu.memref_squeeze %dma_wait3A_405 : memref<1x16x1024xf32, #tpu.memory_space<hbm>> -> memref<16x1024xf32, #tpu.memory_space<hbm>>
    tpu.wait_dma2 semaphore(%arg23 : memref<!tpu.dma_semaphore, #tpu.memory_space<semaphore_mem>>) src(%arg9 : memref<16x1024xf32, #tpu.memory_space<vmem>>) dst(%dma_wait3A_406 : memref<16x1024xf32, #tpu.memory_space<hbm>>)
    %add3A_407 = arith.constant 176 : i32
    %add3A_408 = arith.addi %mul3A_32, %add3A_407 : i32
    %dma_wait3A_409 = arith.constant 0 : i32
    %dma_wait3A_410 = tpu.memref_slice %arg4[%select_n3A, %add3A_408, %dma_wait3A_409] : memref<4x2048x1024xf32, #tpu.memory_space<hbm>> -> memref<1x16x1024xf32, #tpu.memory_space<hbm>>
    %dma_wait3A_411 = tpu.memref_squeeze %dma_wait3A_410 : memref<1x16x1024xf32, #tpu.memory_space<hbm>> -> memref<16x1024xf32, #tpu.memory_space<hbm>>
    %dma_wait3A_412 = arith.constant 0 : i32
    %dma_wait3A_413 = tpu.memref_slice %arg4[%select_n3A, %add3A_408, %dma_wait3A_412] : memref<4x2048x1024xf32, #tpu.memory_space<hbm>> -> memref<1x16x1024xf32, #tpu.memory_space<hbm>>
    %dma_wait3A_414 = tpu.memref_squeeze %dma_wait3A_413 : memref<1x16x1024xf32, #tpu.memory_space<hbm>> -> memref<16x1024xf32, #tpu.memory_space<hbm>>
    tpu.wait_dma2 semaphore(%arg24 : memref<!tpu.dma_semaphore, #tpu.memory_space<semaphore_mem>>) src(%arg10 : memref<16x1024xf32, #tpu.memory_space<vmem>>) dst(%dma_wait3A_414 : memref<16x1024xf32, #tpu.memory_space<hbm>>)
    %add3A_415 = arith.constant 192 : i32
    %add3A_416 = arith.addi %mul3A_32, %add3A_415 : i32
    %dma_wait3A_417 = arith.constant 0 : i32
    %dma_wait3A_418 = tpu.memref_slice %arg4[%select_n3A, %add3A_416, %dma_wait3A_417] : memref<4x2048x1024xf32, #tpu.memory_space<hbm>> -> memref<1x16x1024xf32, #tpu.memory_space<hbm>>
    %dma_wait3A_419 = tpu.memref_squeeze %dma_wait3A_418 : memref<1x16x1024xf32, #tpu.memory_space<hbm>> -> memref<16x1024xf32, #tpu.memory_space<hbm>>
    %dma_wait3A_420 = arith.constant 0 : i32
    %dma_wait3A_421 = tpu.memref_slice %arg4[%select_n3A, %add3A_416, %dma_wait3A_420] : memref<4x2048x1024xf32, #tpu.memory_space<hbm>> -> memref<1x16x1024xf32, #tpu.memory_space<hbm>>
    %dma_wait3A_422 = tpu.memref_squeeze %dma_wait3A_421 : memref<1x16x1024xf32, #tpu.memory_space<hbm>> -> memref<16x1024xf32, #tpu.memory_space<hbm>>
    tpu.wait_dma2 semaphore(%arg25 : memref<!tpu.dma_semaphore, #tpu.memory_space<semaphore_mem>>) src(%arg11 : memref<16x1024xf32, #tpu.memory_space<vmem>>) dst(%dma_wait3A_422 : memref<16x1024xf32, #tpu.memory_space<hbm>>)
    %add3A_423 = arith.constant 208 : i32
    %add3A_424 = arith.addi %mul3A_32, %add3A_423 : i32
    %dma_wait3A_425 = arith.constant 0 : i32
    %dma_wait3A_426 = tpu.memref_slice %arg4[%select_n3A, %add3A_424, %dma_wait3A_425] : memref<4x2048x1024xf32, #tpu.memory_space<hbm>> -> memref<1x16x1024xf32, #tpu.memory_space<hbm>>
    %dma_wait3A_427 = tpu.memref_squeeze %dma_wait3A_426 : memref<1x16x1024xf32, #tpu.memory_space<hbm>> -> memref<16x1024xf32, #tpu.memory_space<hbm>>
    %dma_wait3A_428 = arith.constant 0 : i32
    %dma_wait3A_429 = tpu.memref_slice %arg4[%select_n3A, %add3A_424, %dma_wait3A_428] : memref<4x2048x1024xf32, #tpu.memory_space<hbm>> -> memref<1x16x1024xf32, #tpu.memory_space<hbm>>
    %dma_wait3A_430 = tpu.memref_squeeze %dma_wait3A_429 : memref<1x16x1024xf32, #tpu.memory_space<hbm>> -> memref<16x1024xf32, #tpu.memory_space<hbm>>
    tpu.wait_dma2 semaphore(%arg26 : memref<!tpu.dma_semaphore, #tpu.memory_space<semaphore_mem>>) src(%arg12 : memref<16x1024xf32, #tpu.memory_space<vmem>>) dst(%dma_wait3A_430 : memref<16x1024xf32, #tpu.memory_space<hbm>>)
    %add3A_431 = arith.constant 224 : i32
    %add3A_432 = arith.addi %mul3A_32, %add3A_431 : i32
    %dma_wait3A_433 = arith.constant 0 : i32
    %dma_wait3A_434 = tpu.memref_slice %arg4[%select_n3A, %add3A_432, %dma_wait3A_433] : memref<4x2048x1024xf32, #tpu.memory_space<hbm>> -> memref<1x16x1024xf32, #tpu.memory_space<hbm>>
    %dma_wait3A_435 = tpu.memref_squeeze %dma_wait3A_434 : memref<1x16x1024xf32, #tpu.memory_space<hbm>> -> memref<16x1024xf32, #tpu.memory_space<hbm>>
    %dma_wait3A_436 = arith.constant 0 : i32
    %dma_wait3A_437 = tpu.memref_slice %arg4[%select_n3A, %add3A_432, %dma_wait3A_436] : memref<4x2048x1024xf32, #tpu.memory_space<hbm>> -> memref<1x16x1024xf32, #tpu.memory_space<hbm>>
    %dma_wait3A_438 = tpu.memref_squeeze %dma_wait3A_437 : memref<1x16x1024xf32, #tpu.memory_space<hbm>> -> memref<16x1024xf32, #tpu.memory_space<hbm>>
    tpu.wait_dma2 semaphore(%arg20 : memref<!tpu.dma_semaphore, #tpu.memory_space<semaphore_mem>>) src(%arg6 : memref<16x1024xf32, #tpu.memory_space<vmem>>) dst(%dma_wait3A_438 : memref<16x1024xf32, #tpu.memory_space<hbm>>)
    %add3A_439 = arith.constant 240 : i32
    %add3A_440 = arith.addi %mul3A_32, %add3A_439 : i32
    %dma_wait3A_441 = arith.constant 0 : i32
    %dma_wait3A_442 = tpu.memref_slice %arg4[%select_n3A, %add3A_440, %dma_wait3A_441] : memref<4x2048x1024xf32, #tpu.memory_space<hbm>> -> memref<1x16x1024xf32, #tpu.memory_space<hbm>>
    %dma_wait3A_443 = tpu.memref_squeeze %dma_wait3A_442 : memref<1x16x1024xf32, #tpu.memory_space<hbm>> -> memref<16x1024xf32, #tpu.memory_space<hbm>>
    %dma_wait3A_444 = arith.constant 0 : i32
    %dma_wait3A_445 = tpu.memref_slice %arg4[%select_n3A, %add3A_440, %dma_wait3A_444] : memref<4x2048x1024xf32, #tpu.memory_space<hbm>> -> memref<1x16x1024xf32, #tpu.memory_space<hbm>>
    %dma_wait3A_446 = tpu.memref_squeeze %dma_wait3A_445 : memref<1x16x1024xf32, #tpu.memory_space<hbm>> -> memref<16x1024xf32, #tpu.memory_space<hbm>>
    tpu.wait_dma2 semaphore(%arg21 : memref<!tpu.dma_semaphore, #tpu.memory_space<semaphore_mem>>) src(%arg7 : memref<16x1024xf32, #tpu.memory_space<vmem>>) dst(%dma_wait3A_446 : memref<16x1024xf32, #tpu.memory_space<hbm>>)
    return
  }
}

</mosaic_0001>

<sc_bundles>
// kernel: kernel.3.cloned.1.call-start
scs
__scs_entry_jumppad:
0x0: {  	(pc) =	sbr.rel $0x88, $3  }
0x1: {  	(tag) =	ssettag $0x0;
	lr =	simm.s32 $0x1  }
0x2: {  	[smem:$0x3F9F] =	sst lr;
	_ =	strace $0xD0000000  }
0x3: {  	_ = 	snop  }
0x4: {  	_ = 	snop  }
0x5: {  	_ = 	snop  }
0x6: {  	_ = 	snop  }
0x7: {  	_ = 	snop  }
__scs_overlays_trampoline_lowered:
0x8: {  	[smem:$0x3FAE] =	sst s0  }
0x9: {  	[smem:$0x3FAF] =	sst s1  }
0xa: {  	[smem:$0x3FB0] =	sst s2  }
0xb: {  	[smem:$0x3FB1] =	sst s3  }
0xc: {  	[smem:$0x3FB2] =	sst s4  }
0xd: {  	[smem:$0x3FB3] =	sst s5  }
0xe: {  	[smem:$0x3FB4] =	sst s6  }
0xf: {  	[smem:$0x3FB5] =	sst s7  }
0x10: {  	[smem:$0x3FB6] =	sst s8  }
0x11: {  	[smem:$0x3FB7] =	sst s9;
	s0 =	simm.s32 @!p0 $0x0  }
0x12: {  	s1 =	sld [smem:$0x3F9D];
	s0 =	simm.s32 @p0 $0x1  }
0x13: {  	[smem:$0x3FB8] =	sst s0;
	s0 =	simm.s32 @!p1 $0x0  }
0x14: {  	s2 =	sld [smem:$0x3F9C];
	s0 =	simm.s32 @p1 $0x1  }
0x15: {  	[smem:$0x3FB9] =	sst s0;
	s0 =	simm.s32 @!p2 $0x0  }
0x16: {  	s3 =	sld [smem:$0x3FDB];
	s0 =	simm.s32 @p2 $0x1  }
0x17: {  	s4 =	simm.s32 $0x1BF5;
	[smem:$0x3FBB] =	sst s0  }
0x18: {  	s0 =	sld [smem:$0x3F9E];
	_ =	swait.ge [sflag:s4], $0x0  }
0x19: {  	s7 =	sld [smem:$0x3F9F]  }
0x1a: {  	s8 =	sadd.s32 $0xFFFFE003, lr  }
0x1b: {  	s9 =	sadd.s32 $0xFFFFFEF7, lr;
	s5 =	simm.s32 $0xFFFFFFFF;
	p2 =	slt.u32 s8, $0xFFFFF086  }
0x1c: {  	p1 =	slt.u32 s9, $0xF7A;
	s5 =	simm.s32 @!p2 $0x0  }
0x1d: {  	s5 =	simm.s32 @p1 $0x1;
	p0 =	seq.s32 s7, s2  }
0x1e: {  	s7 =	smul.u32 @!p0 $0xF7A, s2;
	p2 =	seq.s32 @!p0 s5, $0x0  }
0x1f: {  	s9 =	smul.u32 $0xF7A, s1;
	s8 =	simm.s32 @!p0 $0x1BF5;
	p2 =	por !p2, p0  }
0x20: {  	[sflag:s8] =	ssyncset.s32 @!p0 $0xFFFFF086;
	s6 =	sadd.s32 @!p0 s3, s7;
	s7 =	simm.s32 @!p0 $0x108  }
0x21: {  	s3 =	sadd.s32 s3, s9;
	s6 =	sadd.s32 @!p0 $0x88, s6;
	s7 =	simm.s32 @p2 $0x1082  }
0x22: {  	[simem:s7], [sflag:s8] =	dma.local @!p0 [hbm:s6], $0xF7A  }
0x23: {  	s9 =	sor.u32 $0xD0000000, s2;
	s6 =	simm.s32 $0x108;
	_ =	swait.ge @!p0 [sflag:s8], $0x0  }
0x24: {  	s3 =	sadd.s32 $0x88, s3;
	s6 =	simm.s32 @!p1 $0x1082;
	[sflag:s4] =	ssyncset.s32 $0xFFFFF086  }
0x25: {  	[simem:s6], [sflag:s4] =	dma.local [hbm:s3], $0xF7A  }
0x26: {  	[smem:$0x3F9F] =	sst s1;
	(tag) =	ssettag s2;
	_ =	strace s9  }
0x27: {  	s1 =	sld [smem:$0x3FAF]  }
0x28: {  	s2 =	sld [smem:$0x3FB0]  }
0x29: {  	s4 =	sld [smem:$0x3FB2]  }
0x2a: {  	p0 =	seq.s32 s5, $0x0;
	s5 =	sld [smem:$0x3FB3]  }
0x2b: {  	s6 =	sld [smem:$0x3FB4]  }
0x2c: {  	s7 =	sld [smem:$0x3FB5]  }
0x2d: {  	s3 =	simm.s32 $0x108;
	s8 =	sld [smem:$0x3FB6]  }
0x2e: {  	s3 =	simm.s32 @!p0 $0x1082;
	s9 =	sld [smem:$0x3FB7]  }
0x2f: {  	lr =	sadd.s32 s0, s3;
	s0 =	sld [smem:$0x3FAE]  }
0x30: {  	s3 =	sld [smem:$0x3FB1]  }
0x31: {  	[smem:$0x3FBA] =	sst s10  }
0x32: {  	s10 =	sld [smem:$0x3FB8];
	_ =	sdelay $0x3  }
0x33: {  	p0 =	seq.s32 s10, $0x1;
	s10 =	sld [smem:$0x3FBA];
	_ =	sdelay $0x3  }
0x34: {  	[smem:$0x3FBA] =	sst s10  }
0x35: {  	s10 =	sld [smem:$0x3FB9];
	_ =	sdelay $0x3  }
0x36: {  	p1 =	seq.s32 s10, $0x1;
	s10 =	sld [smem:$0x3FBA];
	_ =	sdelay $0x3  }
0x37: {  	[smem:$0x3FBA] =	sst s10  }
0x38: {  	s10 =	sld [smem:$0x3FBB]  }
0x39: {  	_ = 	snop;
	(pc) =	sbr.ind lr, $3  }
0x3a: {  	_ = 	snop  }
0x3b: {  	_ = 	snop  }
0x3c: {  	p2 =	seq.s32 s10, $0x1;
	s10 =	sld [smem:$0x3FBA]  }
0x3d: {  	_ =	shalt  }
0x3e: {  	_ =	shalt  }
0x3f: {  	_ =	shalt  }
0x40: {  	_ =	shalt  }
0x41: {  	_ =	shalt  }
0x42: {  	_ =	shalt  }
0x43: {  	_ =	shalt  }
0x44: {  	_ =	shalt  }
0x45: {  	_ =	shalt  }
0x46: {  	_ =	shalt  }
0x47: {  	_ =	shalt  }
0x48: {  	_ =	shalt  }
0x49: {  	_ =	shalt  }
0x4a: {  	_ =	shalt  }
0x4b: {  	_ =	shalt  }
0x4c: {  	_ =	shalt  }
0x4d: {  	_ =	shalt  }
0x4e: {  	_ =	shalt  }
0x4f: {  	_ =	shalt  }
0x50: {  	_ =	shalt  }
0x51: {  	_ =	shalt  }
0x52: {  	_ =	shalt  }
0x53: {  	_ =	shalt  }
0x54: {  	_ =	shalt  }
0x55: {  	_ =	shalt  }
0x56: {  	_ =	shalt  }
0x57: {  	_ =	shalt  }
0x58: {  	_ =	shalt  }
0x59: {  	_ =	shalt  }
0x5a: {  	_ =	shalt  }
0x5b: {  	_ =	shalt  }
0x5c: {  	_ =	shalt  }
0x5d: {  	_ =	shalt  }
0x5e: {  	_ =	shalt  }
0x5f: {  	_ =	shalt  }
0x60: {  	_ =	shalt  }
0x61: {  	_ =	shalt  }
0x62: {  	_ =	shalt  }
0x63: {  	_ =	shalt  }
0x64: {  	_ =	shalt  }
0x65: {  	_ =	shalt  }
0x66: {  	_ =	shalt  }
0x67: {  	_ =	shalt  }
0x68: {  	_ =	shalt  }
0x69: {  	_ =	shalt  }
0x6a: {  	_ =	shalt  }
0x6b: {  	_ =	shalt  }
0x6c: {  	_ =	shalt  }
0x6d: {  	_ =	shalt  }
0x6e: {  	_ =	shalt  }
0x6f: {  	_ =	shalt  }
0x70: {  	_ =	shalt  }
0x71: {  	_ =	shalt  }
0x72: {  	_ =	shalt  }
0x73: {  	_ =	shalt  }
0x74: {  	_ =	shalt  }
0x75: {  	_ =	shalt  }
0x76: {  	_ =	shalt  }
0x77: {  	_ =	shalt  }
0x78: {  	_ =	shalt  }
0x79: {  	_ =	shalt  }
0x7a: {  	_ =	shalt  }
0x7b: {  	_ =	shalt  }
0x7c: {  	_ =	shalt  }
0x7d: {  	_ =	shalt  }
0x7e: {  	_ =	shalt  }
0x7f: {  	_ =	shalt  }
0x80: {  	_ =	shalt  }
0x81: {  	_ =	shalt  }
0x82: {  	_ =	shalt  }
0x83: {  	_ =	shalt  }
0x84: {  	_ =	shalt  }
0x85: {  	_ =	shalt  }
0x86: {  	_ =	shalt  }
0x87: {  	_ =	shalt  }
.Lfunc_end0:
.L_simem_size_0:
called_computation_lowered:
.L_overlay_start_0:
0x88: {  	s2 =	sld [smem:$0x3FD9]  }
0x89: {  	s3 =	sld [smem:$0x3FFE];
	_ =	sdelay $0x1  }
0x8a: {  	s1 =	srdreg.scid  }
0x8b: {  	s0 =	sand.u32 $0x1, s1  }
0x8c: {  	s18 =	sshll.u32 s0, $0xA;
	s2 =	sadd.s32 s3, s2  }
0x8d: {  	s2 =	sadd.s32 s2, s18  }
0x8e: {  	[smem:$0x3FC6] =	sst s2  }
0x8f: {  	_ = 	snop  }
0x90: {  	s2 =	sld [smem:$0x3FC9]  }
0x91: {  	s19 =	sld [smem:$0x3FC8]  }
0x92: {  	s4 =	sld [smem:$0x3FD0];
	(tm) =	ssettm $0x1  }
0x93: {  	s5 =	sld [smem:$0x3FFB];
	_ =	sdelay $0x3  }
0x94: {  	_ =	strace s5  }
0x95: {  	s5 =	sld [smem:$0x3FFC];
	_ =	sdelay $0x3  }
0x96: {  	_ =	strace s5  }
0x97: {  	s5 =	sld [smem:$0x3FFD];
	_ =	sdelay $0x3  }
0x98: {  	_ =	strace s5  }
0x99: {  	_ =	strace $0x8FFFFFFF  }
0x9a: {  	s20 =	sld [smem:$0x3FDB];
	_ =	sdelay $0x1  }
0x9b: {  	s6 =	simm.s32 $_scs_section_size  }
0x9c: {  	s7 =	simm.s32 $_size__tile_overlayer_lowered;
	s8 =	simm.s32 $_tile_overlayer_lowered  }
0x9d: {  	s23 =	simm.s32 $0x1BFF;
	s22 =	sshll.u32 s8, $0x1;
	s5 =	sadd.s32 s6, s20  }
0x9e: {  	s9 =	simm.s32 $0x0;
	s21 =	sshll.u32 s7, $0x1;
	s7 =	sadd.s32 s22, s5  }
0x9f: {  	[timem:s9], [sflag:s23] =	dma.local [hbm:s7], s21  }
0xa0: {  	_ =	swait.ge [sflag:s23], s21  }
0xa1: {  	s6 =	ssub.s32 $0x0, s21;
	[sflag:s23] =	ssyncset.done $0x0  }
0xa2: {  	[sflag:s23] =	ssyncadd.s32 s6;
	_ =	sdelay $0x1  }
0xa3: {  	s24 =	simm.s32 $0x1B8B  }
0xa4: {  	_ =	swait.ge [sflag:s24], $0x1  }
0xa5: {  	[sflag:s24] =	ssyncset.done $0x0  }
0xa6: {  	s25 =	simm.s32 $0x1B8E;
	[sflag:s24] =	ssyncadd.s32 $0xFFFFFFFF  }
0xa7: {  	s26 =	simm.s32 $execute0_lowered;
	[smem:$0x3FD2] =	sst s25  }
0xa8: {  	s6 =	sshll.u32 s26, $0x1;
	_ =	strace $0x80000046;
	[dreg:$0x1] =	wrdreg $0xFFFFFFFF  }
0xa9: {  	s28 =	simm.s32 $_size_execute0_lowered;
	s5 =	sadd.s32 s5, s6;
	[dreg:$0x0] =	wrdreg $0x0  }
0xaa: {  	s6 =	sshll.u32 s28, $0x1;
	[dreg:$0x2] =	wrdreg s5  }
0xab: {  	[dreg:$0x3] =	wrdreg s6  }
0xac: {  	[dreg:$0x4] =	wrdreg $0xC0  }
0xad: {  	_ =	task [dreg:s9], $0x5FFFF  }
0xae: {  	[dreg:$0x1] =	wrdreg $0xFFFFFFFF  }
0xaf: {  	[dreg:$0x0] =	wrdreg $0x60  }
0xb0: {  	[dreg:$0x2] =	wrdreg s2  }
0xb1: {  	[dreg:$0x3] =	wrdreg s19  }
0xb2: {  	[dreg:$0x4] =	wrdreg s4  }
0xb3: {  	[dreg:$0x5] =	wrdreg $0x9  }
0xb4: {  	_ =	task.clear_ibuf [dreg:s9], $0x6FFFF;
	_ =	strace $0x90000046  }
0xb5: {  	s29 =	simm.s32 $0x9;
	_ =	strace $0x80000048  }
0xb6: {  	_ =	swait.ge [sflag:s29], $0x1  }
0xb7: {  	[sflag:s29] =	ssyncadd.s32 $0xFFFFFFFF  }
0xb8: {  	_ =	strace $0x90000048  }
0xb9: {  	_ =	sfence  }
0xba: {  	s30 =	sld [smem:$0x0];
	_ =	sdelay $0x2  }
0xbb: {  	s31 =	sshll.u32 s1, $0xD;
	s1 =	sshrl.u32 s1, $0x2  }
0xbc: {  	s3 =	sand.u32 $0x4000, s31;
	s1 =	sadd.s32 s1, s30  }
0xbd: {  	s0 =	sor.u32 s3, s0;
	s1 =	sshll.u32 s1, $0x11  }
0xbe: {  	s0 =	sor.u32 s1, s0  }
0xbf: {  	s0 =	sadd.s32 $0x8F2B, s0  }
0xc0: {  	[sflag:s0] =	ssyncadd.remote.s32 $0x1  }
0xc1: {  	_ =	sfence.sel $0xFFFF  }
0xc2: {  	[dreg:$0x0] =	wrdreg $0xFFFFFFFF;
	(pc) =	sbr.abs _section_cstart, $3  }
0xc3: {  	[dreg:$0x1] =	wrdreg $0xFFFFFFFF  }
0xc4: {  	_ =	task.clear_ibuf [dreg:s9], $0x2FFFF;
	_ =	strace $0x9FFFFFFF  }
0xc5: {  	(tm) =	ssettm $0x7FFFFFFF  }
tec
execute0_lowered:
.L_overlay_start_1:
0x0: {  	(tag) =	ssettag $0x1  }
0x1: {  	s0 =	rddreg [dreg:$0x0]  }
0x2: {  	s2 =	rddreg [dreg:$0x1]  }
0x3: {  	s1 =	rddreg [dreg:$0x2]  }
0x4: {  	s6 =	stileid.u32;
	s4 =	srdreg.scid;
	s3 =	simm.s32 $0x0  }
0x5: {  	s25 =	simm.s32 $0x80;
	s26 =	simm.s32 $0x200;
	s5 =	sshll.u32 s6, $0x1  }
0x6: {  	s4 =	sand.u32 $0x1, s4;
	[smem:$0x7FF] =	sst s3;
	s6 =	sshrl.u32 s6, $0x2  }
0x7: {  	s5 =	sand.u32 $0x6, s5;
	s8 =	sshll.u32 s6, $0x4;
	s6 =	sshll.u32 s6, $0x12  }
0x8: {  	_ =	strace $0x80000047;
	[dreg:$0x14] =	wrdreg s25;
	s5 =	sor.u32 s4, s5  }
0x9: {  	s0 =	sadd.s32 s0, s8;
	s7 =	sshll.u32 s5, $0xF;
	s5 =	sshll.u32 s5, $0x7  }
0xa: {  	[dreg:$0x15] =	wrdreg s26;
	s6 =	sor.u32 s6, s7;
	s0 =	sadd.s32 s5, s0  }
0xb: {  	s7 =	sadd.s32 s1, s6;
	[dreg:$0x4] =	wrdreg s0  }
0xc: {  	s9 =	sadd.s32 $0x800, s7;
	[dreg:$0x16] =	wrdreg s7  }
0xd: {  	s10 =	sadd.s32 $0x1000, s7;
	[dreg:$0x5] =	wrdreg s9  }
0xe: {  	s11 =	sadd.s32 $0x1800, s7;
	[dreg:$0x6] =	wrdreg s10  }
0xf: {  	s30 =	simm.s32 $0x8;
	s12 =	sadd.s32 $0x2000, s7;
	[dreg:$0x7] =	wrdreg s11  }
0x10: {  	s28 =	simm.s32 $0x8900;
	s13 =	sadd.s32 $0x2800, s7;
	[dreg:$0x8] =	wrdreg s12  }
0x11: {  	s29 =	simm.s32 $0xA900;
	s14 =	sadd.s32 $0x3000, s7;
	[dreg:$0x9] =	wrdreg s13  }
0x12: {  	s31 =	simm.s32 $0xB100;
	s15 =	sadd.s32 $0x3800, s7;
	[dreg:$0xa] =	wrdreg s14  }
0x13: {  	s19 =	ssub.s32 $0x2, s4;
	s16 =	sadd.s32 $0x4000, s7;
	[dreg:$0xb] =	wrdreg s15  }
0x14: {  	s26 =	simm.s32 $0xA100;
	s17 =	sadd.s32 $0x4800, s7;
	[dreg:$0xc] =	wrdreg s16  }
0x15: {  	s4 =	sshrl.u32 s19, $0x1;
	s18 =	sadd.s32 $0x5000, s7;
	[dreg:$0xd] =	wrdreg s17  }
0x16: {  	s5 =	sadd.s32 $0x100, s2;
	s20 =	sadd.s32 $0x5800, s7;
	[dreg:$0xe] =	wrdreg s18  }
0x17: {  	s1 =	ssub.s32 s19, s4;
	s21 =	sadd.s32 $0x6000, s7;
	[dreg:$0xf] =	wrdreg s20  }
0x18: {  	s6 =	sadd.s32 $0x200, s2;
	s22 =	sadd.s32 $0x6800, s7;
	[dreg:$0x10] =	wrdreg s21  }
0x19: {  	s4 =	simm.s32 $0x2;
	s23 =	sadd.s32 $0x7000, s7;
	[dreg:$0x11] =	wrdreg s22  }
0x1a: {  	v2 =	vlaneseq.u32;
	s24 =	sadd.s32 $0x7800, s7;
	s7 =	sadd.s32 $0x300, s2;
	[dreg:$0x12] =	wrdreg s23  }
0x1b: {  	vm0 =	vmmov $0xffff;
	v1 =	vshrl.u32 v2, $0x3;
	s8 =	smax.u32 s1, $0x1;
	[dreg:$0x13] =	wrdreg s24;
	s13 =	simm.s32 $0x1  }
0x1c: {  	v0 =	vand.u32 $0x7, v2;
	v2 =	vor.u32 $0x8, v2;
	v1 =	vmul.u32 $0x8, v1;
	s9 =	simm.s32 $0x9;
	s18 =	simm.s32 $0x100;
	s10 =	simm.s32 $0x4100  }
.LBB2_1:
0x1d: {  	s22 =	rddreg [dreg:$0x4]  }
0x1e: {  	s23 =	rddreg [dreg:$0x14]  }
0x1f: {  	s24 =	rddreg [dreg:$0x15];
	s17 =	simm.s32 $0xF  }
0x20: {  	[tilespmem:s3], [sflag:$0xF] =	stream.strided.gather [hbm4b:s22+s23], $0x100, s24, s23, $0x38;
	[tilespmem:$0x1C100] =	vst v63  }
0x21: {  	_ =	swait.ge [sflag:s17], $0x100  }
0x22: {  	[sflag:s17] =	ssyncset.done $0x0  }
0x23: {  	[sflag:s17] =	ssyncadd.s32 $0xFFFFFF00  }
0x24: {  	v3 =	vld [tilespmem:$0x0];
	_ =	sdelay $0x4  }
0x25: {  	v4 =	vshll.u32 v3, $0x3  }
0x26: {  	v3 =	vand.u32 $0x7, v3;
	v4 =	vand.u32 $0xFFFFFFC0, v4  }
0x27: {  	v3 =	vor.u32 v3, v4  }
0x28: {  	v4 =	vperm.xlane v3, v0;
	_ =	sdelay $0x1  }
0x29: {  	v4 =	vadd.s32 v1, v4;
	_ =	sdelay $0x4  }
0x2a: {  	[tilespmem:s18], [sflag:$0x1] =	stream.indirect_vreg.gather [hbm4b:s2+s3], $0x80, v4, vm0, $0xb8;
	[tilespmem:$0x1C100] =	vst v63  }
0x2b: {  	s0 =	simm.s32 $0x900;
	v3 =	vperm.xlane v3, v2  }
0x2c: {  	[tilespmem:s0], [sflag:$0x1] =	stream.indirect_vreg.gather [hbm4b:s5+s3], $0x80, v4, vm0, $0xb8;
	[tilespmem:$0x1C100] =	vst v63  }
0x2d: {  	s19 =	simm.s32 $0x1100;
	v3 =	vadd.s32 v1, v3  }
0x2e: {  	[tilespmem:s19], [sflag:$0x1] =	stream.indirect_vreg.gather [hbm4b:s6+s3], $0x80, v4, vm0, $0xb8;
	[tilespmem:$0x1C100] =	vst v63  }
0x2f: {  	s20 =	simm.s32 $0x1900  }
0x30: {  	[tilespmem:s20], [sflag:$0x1] =	stream.indirect_vreg.gather [hbm4b:s7+s3], $0x80, v4, vm0, $0xb8;
	[tilespmem:$0x1C100] =	vst v63  }
0x31: {  	s21 =	simm.s32 $0x2100  }
0x32: {  	[tilespmem:s21], [sflag:$0x1] =	stream.indirect_vreg.gather [hbm4b:s2+s3], $0x80, v3, vm0, $0xb8;
	[tilespmem:$0x1C100] =	vst v63  }
0x33: {  	s22 =	simm.s32 $0x2900  }
0x34: {  	[tilespmem:s22], [sflag:$0x1] =	stream.indirect_vreg.gather [hbm4b:s5+s3], $0x80, v3, vm0, $0xb8;
	[tilespmem:$0x1C100] =	vst v63  }
0x35: {  	s23 =	simm.s32 $0x3100  }
0x36: {  	[tilespmem:s23], [sflag:$0x1] =	stream.indirect_vreg.gather [hbm4b:s6+s3], $0x80, v3, vm0, $0xb8;
	[tilespmem:$0x1C100] =	vst v63  }
0x37: {  	s24 =	simm.s32 $0x3900  }
0x38: {  	[tilespmem:s24], [sflag:$0x1] =	stream.indirect_vreg.gather [hbm4b:s7+s3], $0x80, v3, vm0, $0xb8;
	[tilespmem:$0x1C100] =	vst v63  }
0x39: {  	v3 =	vld [tilespmem:$0x10];
	_ =	sdelay $0x4  }
0x3a: {  	v49 =	vshll.u32 v3, $0x3  }
0x3b: {  	v3 =	vand.u32 $0x7, v3;
	v4 =	vand.u32 $0xFFFFFFC0, v49  }
0x3c: {  	v3 =	vor.u32 v3, v4  }
0x3d: {  	v4 =	vperm.xlane v3, v0;
	_ =	sdelay $0x1  }
0x3e: {  	v4 =	vadd.s32 v1, v4;
	_ =	sdelay $0x4  }
0x3f: {  	[tilespmem:s10], [sflag:$0x2] =	stream.indirect_vreg.gather [hbm4b:s2+s3], $0x80, v4, vm0, $0xb8;
	[tilespmem:$0x1C100] =	vst v63  }
0x40: {  	s25 =	simm.s32 $0x4900;
	v3 =	vperm.xlane v3, v2  }
0x41: {  	[tilespmem:s25], [sflag:$0x2] =	stream.indirect_vreg.gather [hbm4b:s5+s3], $0x80, v4, vm0, $0xb8;
	[tilespmem:$0x1C100] =	vst v63  }
0x42: {  	s11 =	simm.s32 $0x5100;
	v3 =	vadd.s32 v1, v3  }
0x43: {  	[tilespmem:s11], [sflag:$0x2] =	stream.indirect_vreg.gather [hbm4b:s6+s3], $0x80, v4, vm0, $0xb8;
	[tilespmem:$0x1C100] =	vst v63  }
0x44: {  	s12 =	simm.s32 $0x5900  }
0x45: {  	[tilespmem:s12], [sflag:$0x2] =	stream.indirect_vreg.gather [hbm4b:s7+s3], $0x80, v4, vm0, $0xb8;
	[tilespmem:$0x1C100] =	vst v63  }
0x46: {  	s15 =	simm.s32 $0x6100  }
0x47: {  	[tilespmem:s15], [sflag:$0x2] =	stream.indirect_vreg.gather [hbm4b:s2+s3], $0x80, v3, vm0, $0xb8;
	[tilespmem:$0x1C100] =	vst v63  }
0x48: {  	s16 =	simm.s32 $0x6900  }
0x49: {  	[tilespmem:s16], [sflag:$0x2] =	stream.indirect_vreg.gather [hbm4b:s5+s3], $0x80, v3, vm0, $0xb8;
	[tilespmem:$0x1C100] =	vst v63  }
0x4a: {  	s17 =	simm.s32 $0x7100  }
0x4b: {  	[tilespmem:s17], [sflag:$0x2] =	stream.indirect_vreg.gather [hbm4b:s6+s3], $0x80, v3, vm0, $0xb8;
	[tilespmem:$0x1C100] =	vst v63  }
0x4c: {  	s19 =	simm.s32 $0x7900  }
0x4d: {  	[tilespmem:s19], [sflag:$0x2] =	stream.indirect_vreg.gather [hbm4b:s7+s3], $0x80, v3, vm0, $0xb8;
	[tilespmem:$0x1C100] =	vst v63  }
0x4e: {  	v3 =	vld [tilespmem:$0x20];
	_ =	sdelay $0x4  }
0x4f: {  	v50 =	vshll.u32 v3, $0x3  }
0x50: {  	v3 =	vand.u32 $0x7, v3;
	v4 =	vand.u32 $0xFFFFFFC0, v50  }
0x51: {  	v3 =	vor.u32 v3, v4  }
0x52: {  	v4 =	vperm.xlane v3, v0;
	_ =	sdelay $0x1  }
0x53: {  	v4 =	vadd.s32 v1, v4;
	_ =	sdelay $0x3  }
0x54: {  	s20 =	simm.s32 $0x8100  }
0x55: {  	[tilespmem:s20], [sflag:$0x3] =	stream.indirect_vreg.gather [hbm4b:s2+s3], $0x80, v4, vm0, $0xb8;
	[tilespmem:$0x1C100] =	vst v63  }
0x56: {  	v3 =	vperm.xlane v3, v2  }
0x57: {  	[tilespmem:s28], [sflag:$0x3] =	stream.indirect_vreg.gather [hbm4b:s5+s3], $0x80, v4, vm0, $0xb8;
	[tilespmem:$0x1C100] =	vst v63  }
0x58: {  	s11 =	simm.s32 $0x9100;
	v3 =	vadd.s32 v1, v3  }
0x59: {  	[tilespmem:s11], [sflag:$0x3] =	stream.indirect_vreg.gather [hbm4b:s6+s3], $0x80, v4, vm0, $0xb8;
	[tilespmem:$0x1C100] =	vst v63  }
0x5a: {  	s25 =	simm.s32 $0x9900  }
0x5b: {  	[tilespmem:s25], [sflag:$0x3] =	stream.indirect_vreg.gather [hbm4b:s7+s3], $0x80, v4, vm0, $0xb8;
	[tilespmem:$0x1C100] =	vst v63  }
0x5c: {  	_ = 	snop  }
0x5d: {  	[tilespmem:s26], [sflag:$0x3] =	stream.indirect_vreg.gather [hbm4b:s2+s3], $0x80, v3, vm0, $0xb8;
	[tilespmem:$0x1C100] =	vst v63  }
0x5e: {  	_ = 	snop  }
0x5f: {  	[tilespmem:s29], [sflag:$0x3] =	stream.indirect_vreg.gather [hbm4b:s5+s3], $0x80, v3, vm0, $0xb8;
	[tilespmem:$0x1C100] =	vst v63  }
0x60: {  	_ = 	snop  }
0x61: {  	[tilespmem:s31], [sflag:$0x3] =	stream.indirect_vreg.gather [hbm4b:s6+s3], $0x80, v3, vm0, $0xb8;
	[tilespmem:$0x1C100] =	vst v63  }
0x62: {  	s12 =	simm.s32 $0xB900  }
0x63: {  	[tilespmem:s12], [sflag:$0x3] =	stream.indirect_vreg.gather [hbm4b:s7+s3], $0x80, v3, vm0, $0xb8;
	[tilespmem:$0x1C100] =	vst v63  }
0x64: {  	v3 =	vld [tilespmem:$0x30];
	_ =	sdelay $0x4  }
0x65: {  	v51 =	vshll.u32 v3, $0x3  }
0x66: {  	v3 =	vand.u32 $0x7, v3;
	v4 =	vand.u32 $0xFFFFFFC0, v51  }
0x67: {  	v3 =	vor.u32 v3, v4  }
0x68: {  	v4 =	vperm.xlane v3, v0;
	_ =	sdelay $0x1  }
0x69: {  	v4 =	vadd.s32 v1, v4;
	_ =	sdelay $0x3  }
0x6a: {  	s21 =	simm.s32 $0xC100  }
0x6b: {  	[tilespmem:s21], [sflag:$0x4] =	stream.indirect_vreg.gather [hbm4b:s2+s3], $0x80, v4, vm0, $0xb8;
	[tilespmem:$0x1C100] =	vst v63  }
0x6c: {  	s24 =	simm.s32 $0xC900;
	v3 =	vperm.xlane v3, v2  }
0x6d: {  	[tilespmem:s24], [sflag:$0x4] =	stream.indirect_vreg.gather [hbm4b:s5+s3], $0x80, v4, vm0, $0xb8;
	[tilespmem:$0x1C100] =	vst v63  }
0x6e: {  	s15 =	simm.s32 $0xD100;
	v3 =	vadd.s32 v1, v3  }
0x6f: {  	[tilespmem:s15], [sflag:$0x4] =	stream.indirect_vreg.gather [hbm4b:s6+s3], $0x80, v4, vm0, $0xb8;
	[tilespmem:$0x1C100] =	vst v63  }
0x70: {  	s16 =	simm.s32 $0xD900  }
0x71: {  	[tilespmem:s16], [sflag:$0x4] =	stream.indirect_vreg.gather [hbm4b:s7+s3], $0x80, v4, vm0, $0xb8;
	[tilespmem:$0x1C100] =	vst v63  }
0x72: {  	s17 =	simm.s32 $0xE100  }
0x73: {  	[tilespmem:s17], [sflag:$0x4] =	stream.indirect_vreg.gather [hbm4b:s2+s3], $0x80, v3, vm0, $0xb8;
	[tilespmem:$0x1C100] =	vst v63  }
0x74: {  	s19 =	simm.s32 $0xE900  }
0x75: {  	[tilespmem:s19], [sflag:$0x4] =	stream.indirect_vreg.gather [hbm4b:s5+s3], $0x80, v3, vm0, $0xb8;
	[tilespmem:$0x1C100] =	vst v63  }
0x76: {  	s20 =	simm.s32 $0xF100  }
0x77: {  	[tilespmem:s20], [sflag:$0x4] =	stream.indirect_vreg.gather [hbm4b:s6+s3], $0x80, v3, vm0, $0xb8;
	[tilespmem:$0x1C100] =	vst v63  }
0x78: {  	s21 =	simm.s32 $0xF900  }
0x79: {  	[tilespmem:s21], [sflag:$0x4] =	stream.indirect_vreg.gather [hbm4b:s7+s3], $0x80, v3, vm0, $0xb8;
	[tilespmem:$0x1C100] =	vst v63  }
0x7a: {  	v3 =	vld [tilespmem:$0x40];
	_ =	sdelay $0x4  }
0x7b: {  	v52 =	vshll.u32 v3, $0x3  }
0x7c: {  	v3 =	vand.u32 $0x7, v3;
	v4 =	vand.u32 $0xFFFFFFC0, v52  }
0x7d: {  	v3 =	vor.u32 v3, v4  }
0x7e: {  	v4 =	vperm.xlane v3, v0;
	_ =	sdelay $0x1  }
0x7f: {  	v4 =	vadd.s32 v1, v4;
	_ =	sdelay $0x3  }
0x80: {  	s22 =	simm.s32 $0x10100  }
0x81: {  	[tilespmem:s22], [sflag:$0x5] =	stream.indirect_vreg.gather [hbm4b:s2+s3], $0x80, v4, vm0, $0xb8;
	[tilespmem:$0x1C100] =	vst v63  }
0x82: {  	s23 =	simm.s32 $0x10900;
	v3 =	vperm.xlane v3, v2  }
0x83: {  	[tilespmem:s23], [sflag:$0x5] =	stream.indirect_vreg.gather [hbm4b:s5+s3], $0x80, v4, vm0, $0xb8;
	[tilespmem:$0x1C100] =	vst v63  }
0x84: {  	v3 =	vadd.s32 v1, v3;
	s22 =	simm.s32 $0x11100  }
0x85: {  	[tilespmem:s22], [sflag:$0x5] =	stream.indirect_vreg.gather [hbm4b:s6+s3], $0x80, v4, vm0, $0xb8;
	[tilespmem:$0x1C100] =	vst v63  }
0x86: {  	s23 =	simm.s32 $0x11900  }
0x87: {  	[tilespmem:s23], [sflag:$0x5] =	stream.indirect_vreg.gather [hbm4b:s7+s3], $0x80, v4, vm0, $0xb8;
	[tilespmem:$0x1C100] =	vst v63  }
0x88: {  	s22 =	simm.s32 $0x12100  }
0x89: {  	[tilespmem:s22], [sflag:$0x5] =	stream.indirect_vreg.gather [hbm4b:s2+s3], $0x80, v3, vm0, $0xb8;
	[tilespmem:$0x1C100] =	vst v63  }
0x8a: {  	s23 =	simm.s32 $0x12900  }
0x8b: {  	[tilespmem:s23], [sflag:$0x5] =	stream.indirect_vreg.gather [hbm4b:s5+s3], $0x80, v3, vm0, $0xb8;
	[tilespmem:$0x1C100] =	vst v63  }
0x8c: {  	s22 =	simm.s32 $0x13100  }
0x8d: {  	[tilespmem:s22], [sflag:$0x5] =	stream.indirect_vreg.gather [hbm4b:s6+s3], $0x80, v3, vm0, $0xb8;
	[tilespmem:$0x1C100] =	vst v63  }
0x8e: {  	s23 =	simm.s32 $0x13900  }
0x8f: {  	[tilespmem:s23], [sflag:$0x5] =	stream.indirect_vreg.gather [hbm4b:s7+s3], $0x80, v3, vm0, $0xb8;
	[tilespmem:$0x1C100] =	vst v63  }
0x90: {  	v3 =	vld [tilespmem:$0x50];
	_ =	sdelay $0x4  }
0x91: {  	v53 =	vshll.u32 v3, $0x3  }
0x92: {  	v3 =	vand.u32 $0x7, v3;
	v4 =	vand.u32 $0xFFFFFFC0, v53  }
0x93: {  	v3 =	vor.u32 v3, v4  }
0x94: {  	v4 =	vperm.xlane v3, v0;
	_ =	sdelay $0x1  }
0x95: {  	v4 =	vadd.s32 v1, v4;
	_ =	sdelay $0x3  }
0x96: {  	s22 =	simm.s32 $0x14100  }
0x97: {  	[tilespmem:s22], [sflag:$0x6] =	stream.indirect_vreg.gather [hbm4b:s2+s3], $0x80, v4, vm0, $0xb8;
	[tilespmem:$0x1C100] =	vst v63  }
0x98: {  	s23 =	simm.s32 $0x14900;
	v3 =	vperm.xlane v3, v2  }
0x99: {  	[tilespmem:s23], [sflag:$0x6] =	stream.indirect_vreg.gather [hbm4b:s5+s3], $0x80, v4, vm0, $0xb8;
	[tilespmem:$0x1C100] =	vst v63  }
0x9a: {  	v3 =	vadd.s32 v1, v3;
	s22 =	simm.s32 $0x15100  }
0x9b: {  	[tilespmem:s22], [sflag:$0x6] =	stream.indirect_vreg.gather [hbm4b:s6+s3], $0x80, v4, vm0, $0xb8;
	[tilespmem:$0x1C100] =	vst v63  }
0x9c: {  	s23 =	simm.s32 $0x15900  }
0x9d: {  	[tilespmem:s23], [sflag:$0x6] =	stream.indirect_vreg.gather [hbm4b:s7+s3], $0x80, v4, vm0, $0xb8;
	[tilespmem:$0x1C100] =	vst v63  }
0x9e: {  	s22 =	simm.s32 $0x16100  }
0x9f: {  	[tilespmem:s22], [sflag:$0x6] =	stream.indirect_vreg.gather [hbm4b:s2+s3], $0x80, v3, vm0, $0xb8;
	[tilespmem:$0x1C100] =	vst v63  }
0xa0: {  	s23 =	simm.s32 $0x16900  }
0xa1: {  	[tilespmem:s23], [sflag:$0x6] =	stream.indirect_vreg.gather [hbm4b:s5+s3], $0x80, v3, vm0, $0xb8;
	[tilespmem:$0x1C100] =	vst v63  }
0xa2: {  	s22 =	simm.s32 $0x17100  }
0xa3: {  	[tilespmem:s22], [sflag:$0x6] =	stream.indirect_vreg.gather [hbm4b:s6+s3], $0x80, v3, vm0, $0xb8;
	[tilespmem:$0x1C100] =	vst v63  }
0xa4: {  	s23 =	simm.s32 $0x17900  }
0xa5: {  	[tilespmem:s23], [sflag:$0x6] =	stream.indirect_vreg.gather [hbm4b:s7+s3], $0x80, v3, vm0, $0xb8;
	[tilespmem:$0x1C100] =	vst v63  }
0xa6: {  	v3 =	vld [tilespmem:$0x60];
	_ =	sdelay $0x4  }
0xa7: {  	v54 =	vshll.u32 v3, $0x3  }
0xa8: {  	v3 =	vand.u32 $0x7, v3;
	v4 =	vand.u32 $0xFFFFFFC0, v54  }
0xa9: {  	v3 =	vor.u32 v3, v4  }
0xaa: {  	v4 =	vperm.xlane v3, v0;
	_ =	sdelay $0x1  }
0xab: {  	v4 =	vadd.s32 v1, v4;
	_ =	sdelay $0x3  }
0xac: {  	s23 =	simm.s32 $0x18100  }
0xad: {  	[tilespmem:s23], [sflag:$0x7] =	stream.indirect_vreg.gather [hbm4b:s2+s3], $0x80, v4, vm0, $0xb8;
	[tilespmem:$0x1C100] =	vst v63  }
0xae: {  	s22 =	simm.s32 $0x18900;
	v3 =	vperm.xlane v3, v2  }
0xaf: {  	[tilespmem:s22], [sflag:$0x7] =	stream.indirect_vreg.gather [hbm4b:s5+s3], $0x80, v4, vm0, $0xb8;
	[tilespmem:$0x1C100] =	vst v63  }
0xb0: {  	v3 =	vadd.s32 v1, v3;
	s22 =	simm.s32 $0x19100  }
0xb1: {  	[tilespmem:s22], [sflag:$0x7] =	stream.indirect_vreg.gather [hbm4b:s6+s3], $0x80, v4, vm0, $0xb8;
	[tilespmem:$0x1C100] =	vst v63  }
0xb2: {  	s22 =	simm.s32 $0x19900  }
0xb3: {  	[tilespmem:s22], [sflag:$0x7] =	stream.indirect_vreg.gather [hbm4b:s7+s3], $0x80, v4, vm0, $0xb8;
	[tilespmem:$0x1C100] =	vst v63  }
0xb4: {  	s22 =	simm.s32 $0x1A100  }
0xb5: {  	[tilespmem:s22], [sflag:$0x7] =	stream.indirect_vreg.gather [hbm4b:s2+s3], $0x80, v3, vm0, $0xb8;
	[tilespmem:$0x1C100] =	vst v63  }
0xb6: {  	s22 =	simm.s32 $0x1A900  }
0xb7: {  	[tilespmem:s22], [sflag:$0x7] =	stream.indirect_vreg.gather [hbm4b:s5+s3], $0x80, v3, vm0, $0xb8;
	[tilespmem:$0x1C100] =	vst v63  }
0xb8: {  	s22 =	simm.s32 $0x1B100  }
0xb9: {  	[tilespmem:s22], [sflag:$0x7] =	stream.indirect_vreg.gather [hbm4b:s6+s3], $0x80, v3, vm0, $0xb8;
	[tilespmem:$0x1C100] =	vst v63  }
0xba: {  	s22 =	simm.s32 $0x1B900  }
0xbb: {  	[tilespmem:s22], [sflag:$0x7] =	stream.indirect_vreg.gather [hbm4b:s7+s3], $0x80, v3, vm0, $0xb8;
	[tilespmem:$0x1C100] =	vst v63  }
0xbc: {  	_ =	swait.ge [sflag:s13], $0x4000  }
0xbd: {  	[sflag:s13] =	ssyncset.done $0x0  }
0xbe: {  	s0 =	rddreg [dreg:$0x16];
	[sflag:s13] =	ssyncadd.s32 $0xFFFFC000  }
0xbf: {  	[hbm4b:s0+s3] =	stream.linear.scatter [tilespmem:s18], [sflag:$0x8], $0x4000, $0x38;
	[tilespmem:$0x1C100] =	vst v63  }
0xc0: {  	_ =	swait.ge [sflag:s30], $0x4000  }
0xc1: {  	[sflag:s30] =	ssyncset.done $0x0  }
0xc2: {  	[sflag:s30] =	ssyncadd.s32 $0xFFFFC000  }
0xc3: {  	v3 =	vld [tilespmem:$0x70];
	_ =	sdelay $0x4  }
0xc4: {  	v55 =	vshll.u32 v3, $0x3  }
0xc5: {  	v3 =	vand.u32 $0x7, v3;
	v4 =	vand.u32 $0xFFFFFFC0, v55  }
0xc6: {  	v3 =	vor.u32 v3, v4  }
0xc7: {  	v4 =	vperm.xlane v3, v0;
	_ =	sdelay $0x1  }
0xc8: {  	v4 =	vadd.s32 v1, v4;
	_ =	sdelay $0x4  }
0xc9: {  	[tilespmem:s18], [sflag:$0x1] =	stream.indirect_vreg.gather [hbm4b:s2+s3], $0x80, v4, vm0, $0xb8;
	[tilespmem:$0x1C100] =	vst v63  }
0xca: {  	s1 =	simm.s32 $0x900;
	v3 =	vperm.xlane v3, v2  }
0xcb: {  	[tilespmem:s1], [sflag:$0x1] =	stream.indirect_vreg.gather [hbm4b:s5+s3], $0x80, v4, vm0, $0xb8;
	[tilespmem:$0x1C100] =	vst v63  }
0xcc: {  	v3 =	vadd.s32 v1, v3;
	s1 =	simm.s32 $0x1100  }
0xcd: {  	[tilespmem:s1], [sflag:$0x1] =	stream.indirect_vreg.gather [hbm4b:s6+s3], $0x80, v4, vm0, $0xb8;
	[tilespmem:$0x1C100] =	vst v63  }
0xce: {  	s22 =	simm.s32 $0x1900  }
0xcf: {  	[tilespmem:s22], [sflag:$0x1] =	stream.indirect_vreg.gather [hbm4b:s7+s3], $0x80, v4, vm0, $0xb8;
	[tilespmem:$0x1C100] =	vst v63  }
0xd0: {  	s1 =	simm.s32 $0x2100  }
0xd1: {  	[tilespmem:s1], [sflag:$0x1] =	stream.indirect_vreg.gather [hbm4b:s2+s3], $0x80, v3, vm0, $0xb8;
	[tilespmem:$0x1C100] =	vst v63  }
0xd2: {  	s22 =	simm.s32 $0x2900  }
0xd3: {  	[tilespmem:s22], [sflag:$0x1] =	stream.indirect_vreg.gather [hbm4b:s5+s3], $0x80, v3, vm0, $0xb8;
	[tilespmem:$0x1C100] =	vst v63  }
0xd4: {  	s1 =	simm.s32 $0x3100  }
0xd5: {  	[tilespmem:s1], [sflag:$0x1] =	stream.indirect_vreg.gather [hbm4b:s6+s3], $0x80, v3, vm0, $0xb8;
	[tilespmem:$0x1C100] =	vst v63  }
0xd6: {  	s14 =	simm.s32 $0x3900  }
0xd7: {  	[tilespmem:s14], [sflag:$0x1] =	stream.indirect_vreg.gather [hbm4b:s7+s3], $0x80, v3, vm0, $0xb8;
	[tilespmem:$0x1C100] =	vst v63  }
0xd8: {  	_ =	swait.ge [sflag:s4], $0x4000  }
0xd9: {  	[sflag:s4] =	ssyncset.done $0x0  }
0xda: {  	s14 =	rddreg [dreg:$0x5];
	[sflag:s4] =	ssyncadd.s32 $0xFFFFC000  }
0xdb: {  	[hbm4b:s14+s3] =	stream.linear.scatter [tilespmem:s10], [sflag:$0x9], $0x4000, $0x38;
	[tilespmem:$0x1C100] =	vst v63  }
0xdc: {  	_ =	swait.ge [sflag:s9], $0x4000  }
0xdd: {  	[sflag:s9] =	ssyncset.done $0x0  }
0xde: {  	[sflag:s9] =	ssyncadd.s32 $0xFFFFC000  }
0xdf: {  	v3 =	vld [tilespmem:$0x80];
	_ =	sdelay $0x4  }
0xe0: {  	v56 =	vshll.u32 v3, $0x3  }
0xe1: {  	v3 =	vand.u32 $0x7, v3;
	v4 =	vand.u32 $0xFFFFFFC0, v56  }
0xe2: {  	v3 =	vor.u32 v3, v4  }
0xe3: {  	v4 =	vperm.xlane v3, v0;
	_ =	sdelay $0x1  }
0xe4: {  	v4 =	vadd.s32 v1, v4;
	_ =	sdelay $0x4  }
0xe5: {  	[tilespmem:s10], [sflag:$0x2] =	stream.indirect_vreg.gather [hbm4b:s2+s3], $0x80, v4, vm0, $0xb8;
	[tilespmem:$0x1C100] =	vst v63  }
0xe6: {  	s22 =	simm.s32 $0x4900;
	v3 =	vperm.xlane v3, v2  }
0xe7: {  	[tilespmem:s22], [sflag:$0x2] =	stream.indirect_vreg.gather [hbm4b:s5+s3], $0x80, v4, vm0, $0xb8;
	[tilespmem:$0x1C100] =	vst v63  }
0xe8: {  	s1 =	simm.s32 $0x5100;
	v3 =	vadd.s32 v1, v3  }
0xe9: {  	[tilespmem:s1], [sflag:$0x2] =	stream.indirect_vreg.gather [hbm4b:s6+s3], $0x80, v4, vm0, $0xb8;
	[tilespmem:$0x1C100] =	vst v63  }
0xea: {  	s14 =	simm.s32 $0x5900  }
0xeb: {  	[tilespmem:s14], [sflag:$0x2] =	stream.indirect_vreg.gather [hbm4b:s7+s3], $0x80, v4, vm0, $0xb8;
	[tilespmem:$0x1C100] =	vst v63  }
0xec: {  	s22 =	simm.s32 $0x6100  }
0xed: {  	[tilespmem:s22], [sflag:$0x2] =	stream.indirect_vreg.gather [hbm4b:s2+s3], $0x80, v3, vm0, $0xb8;
	[tilespmem:$0x1C100] =	vst v63  }
0xee: {  	s1 =	simm.s32 $0x6900  }
0xef: {  	[tilespmem:s1], [sflag:$0x2] =	stream.indirect_vreg.gather [hbm4b:s5+s3], $0x80, v3, vm0, $0xb8;
	[tilespmem:$0x1C100] =	vst v63  }
0xf0: {  	s14 =	simm.s32 $0x7100  }
0xf1: {  	[tilespmem:s14], [sflag:$0x2] =	stream.indirect_vreg.gather [hbm4b:s6+s3], $0x80, v3, vm0, $0xb8;
	[tilespmem:$0x1C100] =	vst v63  }
0xf2: {  	s0 =	simm.s32 $0x3;
	s22 =	simm.s32 $0x7900  }
0xf3: {  	[tilespmem:s22], [sflag:$0x2] =	stream.indirect_vreg.gather [hbm4b:s7+s3], $0x80, v3, vm0, $0xb8;
	[tilespmem:$0x1C100] =	vst v63  }
0xf4: {  	_ =	swait.ge [sflag:s0], $0x4000  }
0xf5: {  	[sflag:s0] =	ssyncset.done $0x0  }
0xf6: {  	s14 =	simm.s32 $0x8100;
	s1 =	rddreg [dreg:$0x6];
	[sflag:s0] =	ssyncadd.s32 $0xFFFFC000  }
0xf7: {  	[hbm4b:s1+s3] =	stream.linear.scatter [tilespmem:s14], [sflag:$0xA], $0x4000, $0x38;
	[tilespmem:$0x1C100] =	vst v63  }
0xf8: {  	s1 =	simm.s32 $0xA  }
0xf9: {  	_ =	swait.ge [sflag:s1], $0x4000  }
0xfa: {  	[sflag:s1] =	ssyncset.done $0x0  }
0xfb: {  	[sflag:s1] =	ssyncadd.s32 $0xFFFFC000  }
0xfc: {  	v3 =	vld [tilespmem:$0x90];
	_ =	sdelay $0x4  }
0xfd: {  	v57 =	vshll.u32 v3, $0x3  }
0xfe: {  	v3 =	vand.u32 $0x7, v3;
	v4 =	vand.u32 $0xFFFFFFC0, v57  }
0xff: {  	v3 =	vor.u32 v3, v4  }
0x100: {  	v4 =	vperm.xlane v3, v0;
	_ =	sdelay $0x1  }
0x101: {  	v4 =	vadd.s32 v1, v4;
	_ =	sdelay $0x4  }
0x102: {  	[tilespmem:s14], [sflag:$0x3] =	stream.indirect_vreg.gather [hbm4b:s2+s3], $0x80, v4, vm0, $0xb8;
	[tilespmem:$0x1C100] =	vst v63  }
0x103: {  	v3 =	vperm.xlane v3, v2  }
0x104: {  	[tilespmem:s28], [sflag:$0x3] =	stream.indirect_vreg.gather [hbm4b:s5+s3], $0x80, v4, vm0, $0xb8;
	[tilespmem:$0x1C100] =	vst v63  }
0x105: {  	v3 =	vadd.s32 v1, v3  }
0x106: {  	[tilespmem:s11], [sflag:$0x3] =	stream.indirect_vreg.gather [hbm4b:s6+s3], $0x80, v4, vm0, $0xb8;
	[tilespmem:$0x1C100] =	vst v63  }
0x107: {  	_ = 	snop  }
0x108: {  	[tilespmem:s25], [sflag:$0x3] =	stream.indirect_vreg.gather [hbm4b:s7+s3], $0x80, v4, vm0, $0xb8;
	[tilespmem:$0x1C100] =	vst v63  }
0x109: {  	_ = 	snop  }
0x10a: {  	[tilespmem:s26], [sflag:$0x3] =	stream.indirect_vreg.gather [hbm4b:s2+s3], $0x80, v3, vm0, $0xb8;
	[tilespmem:$0x1C100] =	vst v63  }
0x10b: {  	_ = 	snop  }
0x10c: {  	[tilespmem:s29], [sflag:$0x3] =	stream.indirect_vreg.gather [hbm4b:s5+s3], $0x80, v3, vm0, $0xb8;
	[tilespmem:$0x1C100] =	vst v63  }
0x10d: {  	_ = 	snop  }
0x10e: {  	[tilespmem:s31], [sflag:$0x3] =	stream.indirect_vreg.gather [hbm4b:s6+s3], $0x80, v3, vm0, $0xb8;
	[tilespmem:$0x1C100] =	vst v63  }
0x10f: {  	s11 =	simm.s32 $0x4  }
0x110: {  	[tilespmem:s12], [sflag:$0x3] =	stream.indirect_vreg.gather [hbm4b:s7+s3], $0x80, v3, vm0, $0xb8;
	[tilespmem:$0x1C100] =	vst v63  }
0x111: {  	_ =	swait.ge [sflag:s11], $0x4000  }
0x112: {  	s25 =	simm.s32 $0xC100;
	[sflag:s11] =	ssyncset.done $0x0  }
0x113: {  	s12 =	simm.s32 $0xB;
	s14 =	rddreg [dreg:$0x7];
	[sflag:s11] =	ssyncadd.s32 $0xFFFFC000  }
0x114: {  	[hbm4b:s14+s3] =	stream.linear.scatter [tilespmem:s25], [sflag:$0xB], $0x4000, $0x38;
	[tilespmem:$0x1C100] =	vst v63  }
0x115: {  	_ =	swait.ge [sflag:s12], $0x4000  }
0x116: {  	[sflag:s12] =	ssyncset.done $0x0  }
0x117: {  	[sflag:s12] =	ssyncadd.s32 $0xFFFFC000  }
0x118: {  	v3 =	vld [tilespmem:$0xA0];
	_ =	sdelay $0x4  }
0x119: {  	v58 =	vshll.u32 v3, $0x3  }
0x11a: {  	v3 =	vand.u32 $0x7, v3;
	v4 =	vand.u32 $0xFFFFFFC0, v58  }
0x11b: {  	v3 =	vor.u32 v3, v4  }
0x11c: {  	v4 =	vperm.xlane v3, v0;
	_ =	sdelay $0x1  }
0x11d: {  	v4 =	vadd.s32 v1, v4;
	_ =	sdelay $0x4  }
0x11e: {  	[tilespmem:s25], [sflag:$0x4] =	stream.indirect_vreg.gather [hbm4b:s2+s3], $0x80, v4, vm0, $0xb8;
	[tilespmem:$0x1C100] =	vst v63  }
0x11f: {  	v3 =	vperm.xlane v3, v2  }
0x120: {  	[tilespmem:s24], [sflag:$0x4] =	stream.indirect_vreg.gather [hbm4b:s5+s3], $0x80, v4, vm0, $0xb8;
	[tilespmem:$0x1C100] =	vst v63  }
0x121: {  	v3 =	vadd.s32 v1, v3  }
0x122: {  	[tilespmem:s15], [sflag:$0x4] =	stream.indirect_vreg.gather [hbm4b:s6+s3], $0x80, v4, vm0, $0xb8;
	[tilespmem:$0x1C100] =	vst v63  }
0x123: {  	_ = 	snop  }
0x124: {  	[tilespmem:s16], [sflag:$0x4] =	stream.indirect_vreg.gather [hbm4b:s7+s3], $0x80, v4, vm0, $0xb8;
	[tilespmem:$0x1C100] =	vst v63  }
0x125: {  	_ = 	snop  }
0x126: {  	[tilespmem:s17], [sflag:$0x4] =	stream.indirect_vreg.gather [hbm4b:s2+s3], $0x80, v3, vm0, $0xb8;
	[tilespmem:$0x1C100] =	vst v63  }
0x127: {  	_ = 	snop  }
0x128: {  	[tilespmem:s19], [sflag:$0x4] =	stream.indirect_vreg.gather [hbm4b:s5+s3], $0x80, v3, vm0, $0xb8;
	[tilespmem:$0x1C100] =	vst v63  }
0x129: {  	_ = 	snop  }
0x12a: {  	[tilespmem:s20], [sflag:$0x4] =	stream.indirect_vreg.gather [hbm4b:s6+s3], $0x80, v3, vm0, $0xb8;
	[tilespmem:$0x1C100] =	vst v63  }
0x12b: {  	s15 =	simm.s32 $0x5  }
0x12c: {  	[tilespmem:s21], [sflag:$0x4] =	stream.indirect_vreg.gather [hbm4b:s7+s3], $0x80, v3, vm0, $0xb8;
	[tilespmem:$0x1C100] =	vst v63  }
0x12d: {  	_ =	swait.ge [sflag:s15], $0x4000  }
0x12e: {  	s24 =	simm.s32 $0x10100;
	[sflag:s15] =	ssyncset.done $0x0  }
0x12f: {  	s16 =	simm.s32 $0xC;
	s21 =	rddreg [dreg:$0x8];
	[sflag:s15] =	ssyncadd.s32 $0xFFFFC000  }
0x130: {  	[hbm4b:s21+s3] =	stream.linear.scatter [tilespmem:s24], [sflag:$0xC], $0x4000, $0x38;
	[tilespmem:$0x1C100] =	vst v63  }
0x131: {  	_ =	swait.ge [sflag:s16], $0x4000  }
0x132: {  	[sflag:s16] =	ssyncset.done $0x0  }
0x133: {  	[sflag:s16] =	ssyncadd.s32 $0xFFFFC000  }
0x134: {  	v3 =	vld [tilespmem:$0xB0];
	_ =	sdelay $0x4  }
0x135: {  	v59 =	vshll.u32 v3, $0x3  }
0x136: {  	v3 =	vand.u32 $0x7, v3;
	v4 =	vand.u32 $0xFFFFFFC0, v59  }
0x137: {  	v3 =	vor.u32 v3, v4  }
0x138: {  	v4 =	vperm.xlane v3, v0;
	_ =	sdelay $0x1  }
0x139: {  	v4 =	vadd.s32 v1, v4;
	_ =	sdelay $0x4  }
0x13a: {  	[tilespmem:s24], [sflag:$0x5] =	stream.indirect_vreg.gather [hbm4b:s2+s3], $0x80, v4, vm0, $0xb8;
	[tilespmem:$0x1C100] =	vst v63  }
0x13b: {  	s25 =	simm.s32 $0x10900;
	v3 =	vperm.xlane v3, v2  }
0x13c: {  	[tilespmem:s25], [sflag:$0x5] =	stream.indirect_vreg.gather [hbm4b:s5+s3], $0x80, v4, vm0, $0xb8;
	[tilespmem:$0x1C100] =	vst v63  }
0x13d: {  	s19 =	simm.s32 $0x11100;
	v3 =	vadd.s32 v1, v3  }
0x13e: {  	[tilespmem:s19], [sflag:$0x5] =	stream.indirect_vreg.gather [hbm4b:s6+s3], $0x80, v4, vm0, $0xb8;
	[tilespmem:$0x1C100] =	vst v63  }
0x13f: {  	s20 =	simm.s32 $0x11900  }
0x140: {  	[tilespmem:s20], [sflag:$0x5] =	stream.indirect_vreg.gather [hbm4b:s7+s3], $0x80, v4, vm0, $0xb8;
	[tilespmem:$0x1C100] =	vst v63  }
0x141: {  	s21 =	simm.s32 $0x12100  }
0x142: {  	[tilespmem:s21], [sflag:$0x5] =	stream.indirect_vreg.gather [hbm4b:s2+s3], $0x80, v3, vm0, $0xb8;
	[tilespmem:$0x1C100] =	vst v63  }
0x143: {  	s22 =	simm.s32 $0x12900  }
0x144: {  	[tilespmem:s22], [sflag:$0x5] =	stream.indirect_vreg.gather [hbm4b:s5+s3], $0x80, v3, vm0, $0xb8;
	[tilespmem:$0x1C100] =	vst v63  }
0x145: {  	s25 =	simm.s32 $0x13100  }
0x146: {  	[tilespmem:s25], [sflag:$0x5] =	stream.indirect_vreg.gather [hbm4b:s6+s3], $0x80, v3, vm0, $0xb8;
	[tilespmem:$0x1C100] =	vst v63  }
0x147: {  	s17 =	simm.s32 $0x6;
	s19 =	simm.s32 $0x13900  }
0x148: {  	[tilespmem:s19], [sflag:$0x5] =	stream.indirect_vreg.gather [hbm4b:s7+s3], $0x80, v3, vm0, $0xb8;
	[tilespmem:$0x1C100] =	vst v63  }
0x149: {  	_ =	swait.ge [sflag:s17], $0x4000  }
0x14a: {  	s21 =	simm.s32 $0x14100;
	[sflag:s17] =	ssyncset.done $0x0  }
0x14b: {  	s19 =	simm.s32 $0xD;
	s20 =	rddreg [dreg:$0x9];
	[sflag:s17] =	ssyncadd.s32 $0xFFFFC000  }
0x14c: {  	[hbm4b:s20+s3] =	stream.linear.scatter [tilespmem:s21], [sflag:$0xD], $0x4000, $0x38;
	[tilespmem:$0x1C100] =	vst v63  }
0x14d: {  	_ =	swait.ge [sflag:s19], $0x4000  }
0x14e: {  	[sflag:s19] =	ssyncset.done $0x0  }
0x14f: {  	[sflag:s19] =	ssyncadd.s32 $0xFFFFC000  }
0x150: {  	v3 =	vld [tilespmem:$0xC0];
	_ =	sdelay $0x4  }
0x151: {  	v60 =	vshll.u32 v3, $0x3  }
0x152: {  	v3 =	vand.u32 $0x7, v3;
	v4 =	vand.u32 $0xFFFFFFC0, v60  }
0x153: {  	v3 =	vor.u32 v3, v4  }
0x154: {  	v4 =	vperm.xlane v3, v0;
	_ =	sdelay $0x1  }
0x155: {  	v4 =	vadd.s32 v1, v4;
	_ =	sdelay $0x4  }
0x156: {  	[tilespmem:s21], [sflag:$0x6] =	stream.indirect_vreg.gather [hbm4b:s2+s3], $0x80, v4, vm0, $0xb8;
	[tilespmem:$0x1C100] =	vst v63  }
0x157: {  	s22 =	simm.s32 $0x14900;
	v3 =	vperm.xlane v3, v2  }
0x158: {  	[tilespmem:s22], [sflag:$0x6] =	stream.indirect_vreg.gather [hbm4b:s5+s3], $0x80, v4, vm0, $0xb8;
	[tilespmem:$0x1C100] =	vst v63  }
0x159: {  	v3 =	vadd.s32 v1, v3;
	s21 =	simm.s32 $0x15100  }
0x15a: {  	[tilespmem:s21], [sflag:$0x6] =	stream.indirect_vreg.gather [hbm4b:s6+s3], $0x80, v4, vm0, $0xb8;
	[tilespmem:$0x1C100] =	vst v63  }
0x15b: {  	s22 =	simm.s32 $0x15900  }
0x15c: {  	[tilespmem:s22], [sflag:$0x6] =	stream.indirect_vreg.gather [hbm4b:s7+s3], $0x80, v4, vm0, $0xb8;
	[tilespmem:$0x1C100] =	vst v63  }
0x15d: {  	s21 =	simm.s32 $0x16100  }
0x15e: {  	[tilespmem:s21], [sflag:$0x6] =	stream.indirect_vreg.gather [hbm4b:s2+s3], $0x80, v3, vm0, $0xb8;
	[tilespmem:$0x1C100] =	vst v63  }
0x15f: {  	s22 =	simm.s32 $0x16900  }
0x160: {  	[tilespmem:s22], [sflag:$0x6] =	stream.indirect_vreg.gather [hbm4b:s5+s3], $0x80, v3, vm0, $0xb8;
	[tilespmem:$0x1C100] =	vst v63  }
0x161: {  	s21 =	simm.s32 $0x17100  }
0x162: {  	[tilespmem:s21], [sflag:$0x6] =	stream.indirect_vreg.gather [hbm4b:s6+s3], $0x80, v3, vm0, $0xb8;
	[tilespmem:$0x1C100] =	vst v63  }
0x163: {  	s20 =	simm.s32 $0x7;
	s22 =	simm.s32 $0x17900  }
0x164: {  	[tilespmem:s22], [sflag:$0x6] =	stream.indirect_vreg.gather [hbm4b:s7+s3], $0x80, v3, vm0, $0xb8;
	[tilespmem:$0x1C100] =	vst v63  }
0x165: {  	_ =	swait.ge [sflag:s20], $0x4000  }
0x166: {  	[sflag:s20] =	ssyncset.done $0x0  }
0x167: {  	s21 =	rddreg [dreg:$0xa];
	[sflag:s20] =	ssyncadd.s32 $0xFFFFC000  }
0x168: {  	[hbm4b:s21+s3] =	stream.linear.scatter [tilespmem:s23], [sflag:$0xE], $0x4000, $0x38;
	[tilespmem:$0x1C100] =	vst v63  }
0x169: {  	s21 =	simm.s32 $0xE  }
0x16a: {  	_ =	swait.ge [sflag:s21], $0x4000  }
0x16b: {  	[sflag:s21] =	ssyncset.done $0x0  }
0x16c: {  	[sflag:s21] =	ssyncadd.s32 $0xFFFFC000  }
0x16d: {  	v3 =	vld [tilespmem:$0xD0];
	_ =	sdelay $0x4  }
0x16e: {  	v61 =	vshll.u32 v3, $0x3  }
0x16f: {  	v3 =	vand.u32 $0x7, v3;
	v4 =	vand.u32 $0xFFFFFFC0, v61  }
0x170: {  	v3 =	vor.u32 v3, v4  }
0x171: {  	v4 =	vperm.xlane v3, v0;
	_ =	sdelay $0x1  }
0x172: {  	v4 =	vadd.s32 v1, v4;
	_ =	sdelay $0x4  }
0x173: {  	[tilespmem:s23], [sflag:$0x7] =	stream.indirect_vreg.gather [hbm4b:s2+s3], $0x80, v4, vm0, $0xb8;
	[tilespmem:$0x1C100] =	vst v63  }
0x174: {  	s22 =	simm.s32 $0x18900;
	v3 =	vperm.xlane v3, v2  }
0x175: {  	[tilespmem:s22], [sflag:$0x7] =	stream.indirect_vreg.gather [hbm4b:s5+s3], $0x80, v4, vm0, $0xb8;
	[tilespmem:$0x1C100] =	vst v63  }
0x176: {  	v3 =	vadd.s32 v1, v3;
	s22 =	simm.s32 $0x19100  }
0x177: {  	[tilespmem:s22], [sflag:$0x7] =	stream.indirect_vreg.gather [hbm4b:s6+s3], $0x80, v4, vm0, $0xb8;
	[tilespmem:$0x1C100] =	vst v63  }
0x178: {  	s22 =	simm.s32 $0x19900  }
0x179: {  	[tilespmem:s22], [sflag:$0x7] =	stream.indirect_vreg.gather [hbm4b:s7+s3], $0x80, v4, vm0, $0xb8;
	[tilespmem:$0x1C100] =	vst v63  }
0x17a: {  	s22 =	simm.s32 $0x1A100  }
0x17b: {  	[tilespmem:s22], [sflag:$0x7] =	stream.indirect_vreg.gather [hbm4b:s2+s3], $0x80, v3, vm0, $0xb8;
	[tilespmem:$0x1C100] =	vst v63  }
0x17c: {  	s22 =	simm.s32 $0x1A900  }
0x17d: {  	[tilespmem:s22], [sflag:$0x7] =	stream.indirect_vreg.gather [hbm4b:s5+s3], $0x80, v3, vm0, $0xb8;
	[tilespmem:$0x1C100] =	vst v63  }
0x17e: {  	s22 =	simm.s32 $0x1B100  }
0x17f: {  	[tilespmem:s22], [sflag:$0x7] =	stream.indirect_vreg.gather [hbm4b:s6+s3], $0x80, v3, vm0, $0xb8;
	[tilespmem:$0x1C100] =	vst v63  }
0x180: {  	s22 =	simm.s32 $0x1B900  }
0x181: {  	[tilespmem:s22], [sflag:$0x7] =	stream.indirect_vreg.gather [hbm4b:s7+s3], $0x80, v3, vm0, $0xb8;
	[tilespmem:$0x1C100] =	vst v63  }
0x182: {  	_ =	swait.ge [sflag:s13], $0x4000  }
0x183: {  	[sflag:s13] =	ssyncset.done $0x0  }
0x184: {  	s22 =	rddreg [dreg:$0xb];
	[sflag:s13] =	ssyncadd.s32 $0xFFFFC000  }
0x185: {  	[hbm4b:s22+s3] =	stream.linear.scatter [tilespmem:s18], [sflag:$0x8], $0x4000, $0x38;
	[tilespmem:$0x1C100] =	vst v63  }
0x186: {  	_ =	swait.ge [sflag:s30], $0x4000  }
0x187: {  	[sflag:s30] =	ssyncset.done $0x0  }
0x188: {  	[sflag:s30] =	ssyncadd.s32 $0xFFFFC000  }
0x189: {  	v3 =	vld [tilespmem:$0xE0];
	_ =	sdelay $0x4  }
0x18a: {  	v62 =	vshll.u32 v3, $0x3  }
0x18b: {  	v3 =	vand.u32 $0x7, v3;
	v4 =	vand.u32 $0xFFFFFFC0, v62  }
0x18c: {  	v3 =	vor.u32 v3, v4  }
0x18d: {  	v4 =	vperm.xlane v3, v0;
	_ =	sdelay $0x1  }
0x18e: {  	v4 =	vadd.s32 v1, v4;
	_ =	sdelay $0x4  }
0x18f: {  	[tilespmem:s18], [sflag:$0x1] =	stream.indirect_vreg.gather [hbm4b:s2+s3], $0x80, v4, vm0, $0xb8;
	[tilespmem:$0x1C100] =	vst v63  }
0x190: {  	s22 =	simm.s32 $0x900;
	v3 =	vperm.xlane v3, v2  }
0x191: {  	[tilespmem:s22], [sflag:$0x1] =	stream.indirect_vreg.gather [hbm4b:s5+s3], $0x80, v4, vm0, $0xb8;
	[tilespmem:$0x1C100] =	vst v63  }
0x192: {  	v3 =	vadd.s32 v1, v3;
	s22 =	simm.s32 $0x1100  }
0x193: {  	[tilespmem:s22], [sflag:$0x1] =	stream.indirect_vreg.gather [hbm4b:s6+s3], $0x80, v4, vm0, $0xb8;
	[tilespmem:$0x1C100] =	vst v63  }
0x194: {  	s22 =	simm.s32 $0x1900  }
0x195: {  	[tilespmem:s22], [sflag:$0x1] =	stream.indirect_vreg.gather [hbm4b:s7+s3], $0x80, v4, vm0, $0xb8;
	[tilespmem:$0x1C100] =	vst v63  }
0x196: {  	s22 =	simm.s32 $0x2100  }
0x197: {  	[tilespmem:s22], [sflag:$0x1] =	stream.indirect_vreg.gather [hbm4b:s2+s3], $0x80, v3, vm0, $0xb8;
	[tilespmem:$0x1C100] =	vst v63  }
0x198: {  	s22 =	simm.s32 $0x2900  }
0x199: {  	[tilespmem:s22], [sflag:$0x1] =	stream.indirect_vreg.gather [hbm4b:s5+s3], $0x80, v3, vm0, $0xb8;
	[tilespmem:$0x1C100] =	vst v63  }
0x19a: {  	s22 =	simm.s32 $0x3100  }
0x19b: {  	[tilespmem:s22], [sflag:$0x1] =	stream.indirect_vreg.gather [hbm4b:s6+s3], $0x80, v3, vm0, $0xb8;
	[tilespmem:$0x1C100] =	vst v63  }
0x19c: {  	s22 =	simm.s32 $0x3900  }
0x19d: {  	[tilespmem:s22], [sflag:$0x1] =	stream.indirect_vreg.gather [hbm4b:s7+s3], $0x80, v3, vm0, $0xb8;
	[tilespmem:$0x1C100] =	vst v63  }
0x19e: {  	_ =	swait.ge [sflag:s4], $0x4000  }
0x19f: {  	[sflag:s4] =	ssyncset.done $0x0  }
0x1a0: {  	s22 =	rddreg [dreg:$0xc];
	[sflag:s4] =	ssyncadd.s32 $0xFFFFC000  }
0x1a1: {  	[hbm4b:s22+s3] =	stream.linear.scatter [tilespmem:s10], [sflag:$0x9], $0x4000, $0x38;
	[tilespmem:$0x1C100] =	vst v63  }
0x1a2: {  	_ =	swait.ge [sflag:s9], $0x4000  }
0x1a3: {  	[sflag:s9] =	ssyncset.done $0x0  }
0x1a4: {  	[sflag:s9] =	ssyncadd.s32 $0xFFFFC000  }
0x1a5: {  	v3 =	vld [tilespmem:$0xF0];
	_ =	sdelay $0x4  }
0x1a6: {  	v63 =	vshll.u32 v3, $0x3  }
0x1a7: {  	v3 =	vand.u32 $0x7, v3;
	v4 =	vand.u32 $0xFFFFFFC0, v63  }
0x1a8: {  	v3 =	vor.u32 v3, v4  }
0x1a9: {  	v4 =	vperm.xlane v3, v0;
	_ =	sdelay $0x1  }
0x1aa: {  	v4 =	vadd.s32 v1, v4;
	_ =	sdelay $0x4  }
0x1ab: {  	[tilespmem:s10], [sflag:$0x2] =	stream.indirect_vreg.gather [hbm4b:s2+s3], $0x80, v4, vm0, $0xb8;
	[tilespmem:$0x1C100] =	vst v63  }
0x1ac: {  	s22 =	simm.s32 $0x4900;
	v3 =	vperm.xlane v3, v2  }
0x1ad: {  	[tilespmem:s22], [sflag:$0x2] =	stream.indirect_vreg.gather [hbm4b:s5+s3], $0x80, v4, vm0, $0xb8;
	[tilespmem:$0x1C100] =	vst v63  }
0x1ae: {  	v3 =	vadd.s32 v1, v3;
	s22 =	simm.s32 $0x5100  }
0x1af: {  	[tilespmem:s22], [sflag:$0x2] =	stream.indirect_vreg.gather [hbm4b:s6+s3], $0x80, v4, vm0, $0xb8;
	[tilespmem:$0x1C100] =	vst v63  }
0x1b0: {  	s22 =	simm.s32 $0x5900  }
0x1b1: {  	[tilespmem:s22], [sflag:$0x2] =	stream.indirect_vreg.gather [hbm4b:s7+s3], $0x80, v4, vm0, $0xb8;
	[tilespmem:$0x1C100] =	vst v63  }
0x1b2: {  	s22 =	simm.s32 $0x6100  }
0x1b3: {  	[tilespmem:s22], [sflag:$0x2] =	stream.indirect_vreg.gather [hbm4b:s2+s3], $0x80, v3, vm0, $0xb8;
	[tilespmem:$0x1C100] =	vst v63  }
0x1b4: {  	s22 =	simm.s32 $0x6900  }
0x1b5: {  	[tilespmem:s22], [sflag:$0x2] =	stream.indirect_vreg.gather [hbm4b:s5+s3], $0x80, v3, vm0, $0xb8;
	[tilespmem:$0x1C100] =	vst v63  }
0x1b6: {  	s22 =	simm.s32 $0x7100  }
0x1b7: {  	[tilespmem:s22], [sflag:$0x2] =	stream.indirect_vreg.gather [hbm4b:s6+s3], $0x80, v3, vm0, $0xb8;
	[tilespmem:$0x1C100] =	vst v63  }
0x1b8: {  	s22 =	simm.s32 $0x7900  }
0x1b9: {  	[tilespmem:s22], [sflag:$0x2] =	stream.indirect_vreg.gather [hbm4b:s7+s3], $0x80, v3, vm0, $0xb8;
	[tilespmem:$0x1C100] =	vst v63  }
0x1ba: {  	_ =	swait.ge [sflag:s0], $0x4000  }
0x1bb: {  	[sflag:s0] =	ssyncset.done $0x0  }
0x1bc: {  	s22 =	rddreg [dreg:$0xd];
	[sflag:s0] =	ssyncadd.s32 $0xFFFFC000;
	s0 =	simm.s32 $0x8100  }
0x1bd: {  	[hbm4b:s22+s3] =	stream.linear.scatter [tilespmem:s0], [sflag:$0xA], $0x4000, $0x38;
	[tilespmem:$0x1C100] =	vst v63  }
0x1be: {  	_ =	swait.ge [sflag:s11], $0x4000  }
0x1bf: {  	[sflag:s11] =	ssyncset.done $0x0  }
0x1c0: {  	s14 =	simm.s32 $0xC100;
	s0 =	rddreg [dreg:$0xe];
	[sflag:s11] =	ssyncadd.s32 $0xFFFFC000  }
0x1c1: {  	[hbm4b:s0+s3] =	stream.linear.scatter [tilespmem:s14], [sflag:$0xB], $0x4000, $0x38;
	[tilespmem:$0x1C100] =	vst v63  }
0x1c2: {  	_ =	swait.ge [sflag:s15], $0x4000  }
0x1c3: {  	[sflag:s15] =	ssyncset.done $0x0  }
0x1c4: {  	s24 =	simm.s32 $0x10100;
	s14 =	rddreg [dreg:$0xf];
	[sflag:s15] =	ssyncadd.s32 $0xFFFFC000  }
0x1c5: {  	[hbm4b:s14+s3] =	stream.linear.scatter [tilespmem:s24], [sflag:$0xC], $0x4000, $0x38;
	[tilespmem:$0x1C100] =	vst v63  }
0x1c6: {  	_ =	swait.ge [sflag:s17], $0x4000  }
0x1c7: {  	[sflag:s17] =	ssyncset.done $0x0  }
0x1c8: {  	s25 =	simm.s32 $0x14100;
	s15 =	rddreg [dreg:$0x10];
	[sflag:s17] =	ssyncadd.s32 $0xFFFFC000  }
0x1c9: {  	[hbm4b:s15+s3] =	stream.linear.scatter [tilespmem:s25], [sflag:$0xD], $0x4000, $0x38;
	[tilespmem:$0x1C100] =	vst v63  }
0x1ca: {  	_ =	swait.ge [sflag:s20], $0x4000  }
0x1cb: {  	[sflag:s20] =	ssyncset.done $0x0  }
0x1cc: {  	s17 =	rddreg [dreg:$0x11];
	[sflag:s20] =	ssyncadd.s32 $0xFFFFC000  }
0x1cd: {  	[hbm4b:s17+s3] =	stream.linear.scatter [tilespmem:s23], [sflag:$0xE], $0x4000, $0x38;
	[tilespmem:$0x1C100] =	vst v63  }
0x1ce: {  	_ =	swait.ge [sflag:s13], $0x4000  }
0x1cf: {  	[sflag:s13] =	ssyncset.done $0x0  }
0x1d0: {  	s24 =	rddreg [dreg:$0x12];
	[sflag:s13] =	ssyncadd.s32 $0xFFFFC000  }
0x1d1: {  	[hbm4b:s24+s3] =	stream.linear.scatter [tilespmem:s18], [sflag:$0x8], $0x4000, $0x38;
	[tilespmem:$0x1C100] =	vst v63  }
0x1d2: {  	_ =	swait.ge [sflag:s4], $0x4000  }
0x1d3: {  	[sflag:s4] =	ssyncset.done $0x0  }
0x1d4: {  	s25 =	rddreg [dreg:$0x13];
	[sflag:s4] =	ssyncadd.s32 $0xFFFFC000  }
0x1d5: {  	[hbm4b:s25+s3] =	stream.linear.scatter [tilespmem:s10], [sflag:$0x9], $0x4000, $0x38;
	[tilespmem:$0x1C100] =	vst v63  }
0x1d6: {  	_ =	swait.ge [sflag:s1], $0x4000  }
0x1d7: {  	[sflag:s1] =	ssyncset.done $0x0  }
0x1d8: {  	[sflag:s1] =	ssyncadd.s32 $0xFFFFC000  }
0x1d9: {  	_ =	swait.ge [sflag:s12], $0x4000  }
0x1da: {  	[sflag:s12] =	ssyncset.done $0x0  }
0x1db: {  	[sflag:s12] =	ssyncadd.s32 $0xFFFFC000  }
0x1dc: {  	_ =	swait.ge [sflag:s16], $0x4000  }
0x1dd: {  	[sflag:s16] =	ssyncset.done $0x0  }
0x1de: {  	[sflag:s16] =	ssyncadd.s32 $0xFFFFC000  }
0x1df: {  	_ =	swait.ge [sflag:s19], $0x4000  }
0x1e0: {  	[sflag:s19] =	ssyncset.done $0x0  }
0x1e1: {  	[sflag:s19] =	ssyncadd.s32 $0xFFFFC000  }
0x1e2: {  	_ =	swait.ge [sflag:s21], $0x4000  }
0x1e3: {  	[sflag:s21] =	ssyncset.done $0x0  }
0x1e4: {  	[sflag:s21] =	ssyncadd.s32 $0xFFFFC000  }
0x1e5: {  	p0 =	sne.s32 s8, $0x1;
	_ =	swait.ge [sflag:s30], $0x4000  }
.Ltmp0:
0x1e6: {  	[sflag:s30] =	ssyncset.done $0x0;
	(pc) =	sbr.rel @p0 .LBB2_1-.Ltmp0, $4  }
0x1e7: {  	[sflag:s30] =	ssyncadd.s32 $0xFFFFC000  }
0x1e8: {  	_ =	swait.ge [sflag:s9], $0x4000  }
0x1e9: {  	[sflag:s9] =	ssyncset.done $0x0  }
0x1ea: {  	s8 =	sadd.s32 $0xFFFFFFFF, s8;
	[sflag:s9] =	ssyncadd.s32 $0xFFFFC000  }
0x1eb: {  	_ =	sfence.sel $0x180000  }
0x1ec: {  	[bflag:$0x0] =	sbarrier.arrive $0xFFFF  }
0x1ed: {  	_ =	strace $0x90000047  }
0x1ee: {  	s0 =	stileid.u32;
	[bflag:$0x2] =	sbarrier.arrive $0xFFFF  }
0x1ef: {  	p0 =	sne.s32 s0, $0x0;
	s0 =	rddreg [dreg:$0x3]  }
0x1f0: {  	s0 =	sadd.s32 @!p0 $0x100000, s0  }
0x1f1: {  	[sflag:s0] =	ssyncadd.tile.s32 @!p0 $0x1;
	_ =	shalt  }
.Lfunc_end2:
_tile_overlayer_lowered:
.L_overlay_start_2:
0x1f2: {  	(tag) =	ssettag $0x2  }
0x1f3: {  	s0 =	rddreg [dreg:$0x0];
	s2 =	stileid.u32  }
0x1f4: {  	s1 =	rddreg [dreg:$0x1];
	p0 =	sne.s32 s2, $0x0  }
0x1f5: {  	s3 =	rddreg [dreg:$0x2];
	[bflag:$0x3] =	sbarrier.arrive $0xFFFF;
	s2 =	simm.s32 @!p0 $0x1C0F  }
0x1f6: {  	[timem:s3], [sflag:s2] =	dma.local @!p0 [hbm:s0], s1  }
0x1f7: {  	s0 =	simm.s32 @!p0 $0xF  }
0x1f8: {  	_ =	swait.ge @!p0 [sflag:s0], s1  }
0x1f9: {  	s1 =	ssub.s32 @!p0 $0x0, s1;
	[sflag:s0] =	ssyncset.done @!p0 $0x0  }
0x1fa: {  	[sflag:s0] =	ssyncadd.s32 @!p0 s1  }
0x1fb: {  	[bflag:$0x3] =	sbarrier.arrive $0xFFFF  }
0x1fc: {  	_ =	shalt  }

</sc_bundles>
